<compile_context>
chip_gen: v7x
topology: tpu7x:2x2x1
jax: 0.10.2.dev20260603
libtpu: 0.0.44.dev20260713+nightly
codegen_flags: <defaults>
</compile_context>

<pallas_src>
import functools

import jax
import jax.numpy as jnp
from jax import lax
from jax.experimental import pallas as pl
from jax.experimental.pallas import tpu as pltpu
from jax.experimental.pallas import tpu_sc as plsc

N = 10000
E = 320000
NC = 2
NS = 16
B_E = 128
E_PAD = 323584
N_ACC = 10112
PAD_DST = 10016
ROWS_PER_TILE = N_ACC // NS
NBLK = 1000


def _make_segsum(mode):
  w = 128
  e_per_tile = E_PAD // (NS * NC) if mode == "edge_split" else E_PAD // NS
  n_batches = e_per_tile // B_E
  mesh = plsc.VectorSubcoreMesh(core_axis_name="c", subcore_axis_name="s")

  @functools.partial(
      pl.kernel,
      mesh=mesh,
      out_type=jax.ShapeDtypeStruct((NC, N_ACC, w), jnp.float32),
      scratch_types=[
          pltpu.VMEM((B_E,), jnp.int32),
          pltpu.VMEM((B_E,), jnp.int32),
          pltpu.VMEM((B_E, w), jnp.float32),
          pltpu.VMEM_SHARED((N_ACC, w), jnp.float32),
          pltpu.SemaphoreType.DMA,
      ],
  )
  def seg_kernel(x_hbm, src_hbm, dst_hbm, zero_hbm, ones_hbm, out_hbm,
                 src_v, dst_v, rows_v, acc_sh, gsem):
    c = lax.axis_index("c")
    s = lax.axis_index("s")
    base_r = s * ROWS_PER_TILE
    pltpu.sync_copy(zero_hbm.at[pl.ds(base_r, ROWS_PER_TILE)],
                    acc_sh.at[pl.ds(base_r, ROWS_PER_TILE)])
    plsc.subcore_barrier()

    if mode == "edge_split":
      tile_e0 = (c * NS + s) * e_per_tile
    else:
      tile_e0 = s * e_per_tile

    def do_gather_loop():
      def body(i, carry):
        e0 = tile_e0 + i * B_E
        sv = src_v
        dv = dst_v
        rv = rows_v
        pltpu.sync_copy(src_hbm.at[pl.ds(e0, B_E)], sv)
        pltpu.sync_copy(dst_hbm.at[pl.ds(e0, B_E)], dv)
        if mode == "col_split":
          pltpu.async_copy(x_hbm.at[c].at[sv], rv, gsem).wait()
        else:
          pltpu.async_copy(x_hbm.at[sv], rv, gsem).wait()
        pltpu.sync_copy(rv, acc_sh.at[dv], add=True)
        return carry

      lax.fori_loop(0, n_batches, body, 0)

    def do_ones_loop():
      pltpu.sync_copy(ones_hbm, rows_v)

      def body(i, carry):
        e0 = tile_e0 + i * B_E
        pltpu.sync_copy(dst_hbm.at[pl.ds(e0, B_E)], dst_v)
        pltpu.sync_copy(rows_v, acc_sh.at[dst_v], add=True)
        return carry

      lax.fori_loop(0, n_batches, body, 0)

    if mode == "l1":
      @pl.when(c == 0)
      def _():
        do_gather_loop()

      @pl.when(c == 1)
      def _():
        do_ones_loop()
    else:
      do_gather_loop()

    plsc.subcore_barrier()
    pltpu.sync_copy(acc_sh.at[pl.ds(base_r, ROWS_PER_TILE)],
                    out_hbm.at[c].at[pl.ds(base_r, ROWS_PER_TILE)])

  return seg_kernel


_seg_l1 = _make_segsum("l1")
_seg_l2 = _make_segsum("col_split")
_seg_l3 = _make_segsum("edge_split")



def _full(shape):
  return pl.BlockSpec(shape, lambda i: tuple(0 for _ in shape))


def _text_body(x_ref, w1_ref, b1_ref, w2_ref, b2_ref, o_ref):
  h = jnp.maximum(
      jnp.dot(x_ref[...], w1_ref[...], preferred_element_type=jnp.float32)
      + b1_ref[...], 0.0)
  o_ref[...] = (jnp.dot(h, w2_ref[...], preferred_element_type=jnp.float32)
                + b2_ref[...])


def _text_call(text_x, wt1, bt1, wt2, bt2):
  grid = (N // NBLK,)
  return pl.pallas_call(
      _text_body,
      grid=grid,
      in_specs=[
          pl.BlockSpec((NBLK, 256), lambda i: (i, 0)),
          _full((256, 256)), _full((1, 256)),
          _full((256, 128)), _full((1, 128)),
      ],
      out_specs=pl.BlockSpec((NBLK, 128), lambda i: (i, 0)),
      out_shape=jax.ShapeDtypeStruct((N, 128), jnp.float32),
  )(text_x, wt1, bt1, wt2, bt2)


def _ta_body(agg_ref, x_ref, wl_ref, wr_ref, b_ref, h1_ref, inv_ref):
  inv = 1.0 / jnp.maximum(agg_ref[1][:, 0:1], 1.0)
  mean = agg_ref[0] * inv
  h1 = jnp.maximum(
      jnp.dot(mean, wl_ref[...], preferred_element_type=jnp.float32)
      + b_ref[...]
      + jnp.dot(x_ref[...], wr_ref[...], preferred_element_type=jnp.float32),
      0.0)
  h1_ref[0] = h1[:, :128]
  h1_ref[1] = h1[:, 128:]
  inv_ref[...] = inv


def _ta_call(agg1, node_x, wl1, wr1, b1):
  grid = (N // NBLK,)
  return pl.pallas_call(
      _ta_body,
      grid=grid,
      in_specs=[
          pl.BlockSpec((2, NBLK, 128), lambda i: (0, i, 0)),
          pl.BlockSpec((NBLK, 128), lambda i: (i, 0)),
          _full((128, 256)), _full((128, 256)), _full((1, 256)),
      ],
      out_specs=[
          pl.BlockSpec((2, NBLK, 128), lambda i: (0, i, 0)),
          pl.BlockSpec((NBLK, 1), lambda i: (i, 0)),
      ],
      out_shape=[
          jax.ShapeDtypeStruct((2, N, 128), jnp.float32),
          jax.ShapeDtypeStruct((N, 1), jnp.float32),
      ],
  )(agg1, node_x, wl1, wr1, b1)


def _tb_body(agg_ref, h1_ref, inv_ref, wl_ref, wr_ref, b_ref, wl3_ref,
             h2_ref, z3_ref):
  inv = inv_ref[...]
  mean = jnp.concatenate([agg_ref[0], agg_ref[1]], axis=1) * inv
  h1f = jnp.concatenate([h1_ref[0], h1_ref[1]], axis=1)
  h2 = jnp.maximum(
      jnp.dot(mean, wl_ref[...], preferred_element_type=jnp.float32)
      + b_ref[...]
      + jnp.dot(h1f, wr_ref[...], preferred_element_type=jnp.float32),
      0.0)
  h2_ref[...] = h2
  z3_ref[...] = jnp.dot(h2, wl3_ref[...], preferred_element_type=jnp.float32)


def _tb_call(agg2, h1h, inv, wl2, wr2, b2, wl3):
  grid = (N // NBLK,)
  return pl.pallas_call(
      _tb_body,
      grid=grid,
      in_specs=[
          pl.BlockSpec((2, NBLK, 128), lambda i: (0, i, 0)),
          pl.BlockSpec((2, NBLK, 128), lambda i: (0, i, 0)),
          pl.BlockSpec((NBLK, 1), lambda i: (i, 0)),
          _full((256, 256)), _full((256, 256)), _full((1, 256)),
          _full((256, 128)),
      ],
      out_specs=[
          pl.BlockSpec((NBLK, 256), lambda i: (i, 0)),
          pl.BlockSpec((NBLK, 128), lambda i: (i, 0)),
      ],
      out_shape=[
          jax.ShapeDtypeStruct((N, 256), jnp.float32),
          jax.ShapeDtypeStruct((N, 128), jnp.float32),
      ],
  )(agg2, h1h, inv, wl2, wr2, b2, wl3)


def _tc_body(agg_ref, h2_ref, txt_ref, inv_ref, wr3_ref, b3_ref,
             w4a_ref, w4b_ref, b4_ref, lbl_ref, fin_ref):
  mean = (agg_ref[0] + agg_ref[1]) * inv_ref[...]
  lbl = jnp.maximum(
      mean + b3_ref[...]
      + jnp.dot(h2_ref[...], wr3_ref[...], preferred_element_type=jnp.float32),
      0.0)
  lbl_ref[...] = lbl
  fin_ref[...] = (
      jnp.dot(lbl, w4a_ref[...], preferred_element_type=jnp.float32)
      + jnp.dot(txt_ref[...], w4b_ref[...], preferred_element_type=jnp.float32)
      + b4_ref[...])


def _tc_call(agg3, h2, txt_emb, inv, wr3, b3, w4a, w4b, b4):
  grid = (N // NBLK,)
  return pl.pallas_call(
      _tc_body,
      grid=grid,
      in_specs=[
          pl.BlockSpec((2, NBLK, 128), lambda i: (0, i, 0)),
          pl.BlockSpec((NBLK, 256), lambda i: (i, 0)),
          pl.BlockSpec((NBLK, 128), lambda i: (i, 0)),
          pl.BlockSpec((NBLK, 1), lambda i: (i, 0)),
          _full((256, 128)), _full((1, 128)),
          _full((128, 256)), _full((128, 256)), _full((1, 256)),
      ],
      out_specs=[
          pl.BlockSpec((NBLK, 128), lambda i: (i, 0)),
          pl.BlockSpec((NBLK, 256), lambda i: (i, 0)),
      ],
      out_shape=[
          jax.ShapeDtypeStruct((N, 128), jnp.float32),
          jax.ShapeDtypeStruct((N, 256), jnp.float32),
      ],
  )(agg3, h2, txt_emb, inv, wr3, b3, w4a, w4b, b4)


def kernel(node_x, text_x, edge_index,
           Wl1, Wr1, b1, Wl2, Wr2, b2, Wl3, Wr3, b3,
           Wt1, bt1, Wt2, bt2, W4, b4):
  src = edge_index[0].astype(jnp.int32)
  dst = edge_index[1].astype(jnp.int32)
  src_p = jnp.concatenate([src, jnp.zeros((E_PAD - E,), jnp.int32)])
  dst_p = jnp.concatenate([dst, jnp.full((E_PAD - E,), PAD_DST, jnp.int32)])

  zeros128 = jnp.zeros((N_ACC, 128), jnp.float32)
  ones128 = jnp.ones((B_E, 128), jnp.float32)

  b1r = b1.reshape(1, -1)
  b2r = b2.reshape(1, -1)
  b3r = b3.reshape(1, -1)
  bt1r = bt1.reshape(1, -1)
  bt2r = bt2.reshape(1, -1)
  b4r = b4.reshape(1, -1)
  w4a = W4[:128]
  w4b = W4[128:]

  agg1 = _seg_l1(node_x, src_p, dst_p, zeros128, ones128)
  txt_emb = _text_call(text_x, Wt1, bt1r, Wt2, bt2r)
  h1h, inv = _ta_call(agg1[:, :N, :], node_x, Wl1, Wr1, b1r)
  agg2 = _seg_l2(h1h, src_p, dst_p, zeros128, ones128)
  h2, z3 = _tb_call(agg2[:, :N, :], h1h, inv, Wl2, Wr2, b2r, Wl3)
  agg3 = _seg_l3(z3, src_p, dst_p, zeros128, ones128)
  lbl, final = _tc_call(agg3[:, :N, :], h2, txt_emb, inv, Wr3, b3r,
                        w4a, w4b, b4r)
  return (final, lbl, txt_emb)

# --- scband reference (transcript-rebuilt; emitter-appended) ---
"""Pipeline reference for scband-mspt-sage-24910810317309 (READ-ONLY COPY).

The authoritative reference and input builder live on the scoring server;
editing this copy changes nothing except your own understanding.
"""

import jax, jax.numpy as jnp
import numpy as np

N = 10000
E = 320000
D_IN = 128
D_HID = 256
D_LBL = 128
D_TXT_IN = 256
D_TXT_HID = 256
D_TXT = 128
D_FIN = 256


def setup_inputs(seed: int = 0) -> dict:
    key = jax.random.key(seed)
    ks = jax.random.split(key, 20)
    node_x = jax.random.normal(ks[0], (N, D_IN), dtype=jnp.float32)
    text_x = jax.random.normal(ks[1], (N, D_TXT_IN), dtype=jnp.float32)
    edge_index = jax.random.randint(ks[2], (2, E), 0, N, dtype=jnp.int64)
    s = 0.05
    params = {
        'Wl1': jax.random.normal(ks[3], (D_IN, D_HID), dtype=jnp.float32) * s,
        'Wr1': jax.random.normal(ks[4], (D_IN, D_HID), dtype=jnp.float32) * s,
        'b1': jnp.zeros((D_HID,), dtype=jnp.float32),
        'Wl2': jax.random.normal(ks[5], (D_HID, D_HID), dtype=jnp.float32) * s,
        'Wr2': jax.random.normal(ks[6], (D_HID, D_HID), dtype=jnp.float32) * s,
        'b2': jnp.zeros((D_HID,), dtype=jnp.float32),
        'Wl3': jax.random.normal(ks[7], (D_HID, D_LBL), dtype=jnp.float32) * s,
        'Wr3': jax.random.normal(ks[8], (D_HID, D_LBL), dtype=jnp.float32) * s,
        'b3': jnp.zeros((D_LBL,), dtype=jnp.float32),
        'Wt1': jax.random.normal(ks[9], (D_TXT_IN, D_TXT_HID), dtype=jnp.float32) * s,
        'bt1': jnp.zeros((D_TXT_HID,), dtype=jnp.float32),
        'Wt2': jax.random.normal(ks[10], (D_TXT_HID, D_TXT), dtype=jnp.float32) * s,
        'bt2': jnp.zeros((D_TXT,), dtype=jnp.float32),
        'W4': jax.random.normal(ks[11], (D_LBL + D_TXT, D_FIN), dtype=jnp.float32) * s,
        'b4': jnp.zeros((D_FIN,), dtype=jnp.float32),
    }
    out = {'node_x': node_x, 'text_x': text_x, 'edge_index': edge_index}
    out.update(params)
    return out


def _sage_conv(x, edge_index, Wl, Wr, b):
    # PyG SAGEConv with mean aggregation:
    # out = lin_l(mean_{j in N(i)} x_j) + lin_r(x_i)
    src = edge_index[0]
    dst = edge_index[1]
    msgs = jnp.take(x, src, axis=0)
    agg = jax.ops.segment_sum(msgs, dst, num_segments=N)
    cnt = jax.ops.segment_sum(jnp.ones((edge_index.shape[1],), dtype=x.dtype), dst, num_segments=N)
    mean = agg / jnp.clip(cnt, 1.0, None)[:, None]
    return mean @ Wl + b + x @ Wr


def reference(node_x, text_x, edge_index, Wl1, Wr1, b1, Wl2, Wr2, b2, Wl3, Wr3, b3, Wt1, bt1, Wt2, bt2, W4, b4):
    h = jax.nn.relu(_sage_conv(node_x, edge_index, Wl1, Wr1, b1))
    h = jax.nn.relu(_sage_conv(h, edge_index, Wl2, Wr2, b2))
    lbl_emb = jax.nn.relu(_sage_conv(h, edge_index, Wl3, Wr3, b3))
    txt_h = jax.nn.relu(text_x @ Wt1 + bt1)
    txt_emb = txt_h @ Wt2 + bt2
    final = jnp.concatenate([lbl_emb, txt_emb], axis=1) @ W4 + b4
    return (final, lbl_emb, txt_emb)

if __name__ == "__main__":
    import jax
    _d = setup_inputs()
    print(jax.jit(kernel)(*tuple(_d.values())))

</pallas_src>

<mosaic_0001>
#map = affine_map<(d0, d1) -> (0, 0)>
#map1 = affine_map<(d0, d1) -> (0)>
#map2 = affine_map<(d0, d1) -> (0, 0, 0)>
module attributes {stable_mosaic.version = 14 : i64} {
  func.func @seg_kernel(%arg0: i32, %arg1: i32, %arg2: memref<10000x128xf32, #tpu.memory_space<hbm>>, %arg3: memref<323584xi32, #tpu.memory_space<hbm>>, %arg4: memref<323584xi32, #tpu.memory_space<hbm>>, %arg5: memref<10112x128xf32, #tpu.memory_space<hbm>>, %arg6: memref<128x128xf32, #tpu.memory_space<hbm>>, %arg7: memref<2x10112x128xf32, #tpu.memory_space<hbm>>, %arg8: memref<128xi32, #tpu.memory_space<vmem>>, %arg9: memref<128xi32, #tpu.memory_space<vmem>>, %arg10: memref<128x128xf32, #tpu.memory_space<vmem>>, %arg11: memref<10112x128xf32, #tpu.memory_space<vmem_shared>>, %arg12: memref<!tpu.dma_semaphore, #tpu.memory_space<semaphore_mem>>) attributes {dimension_semantics = [#tpu.dimension_semantics<core_parallel>, #tpu.dimension_semantics<subcore_parallel>], iteration_bounds = array<i64: 2, 16>, scalar_prefetch = 0 : i64, scratch_operands = 5 : i64, tpu.core_type = #tpu.core_type<sc_vector_subcore>, window_params = [{transform_indices = #map}, {transform_indices = #map1}, {transform_indices = #map1}, {transform_indices = #map}, {transform_indices = #map}, {transform_indices = #map2}]} {
    %mul3A = arith.constant 632 : i32
    %mul3A_0 = arith.muli %arg1, %mul3A : i32
    "tpu.region"() ({
      %run_scoped3A = tpu.sem_alloc : memref<!tpu.dma_semaphore, #tpu.memory_space<semaphore_mem>>
      %dma_start3A = arith.constant 0 : i32
      %dma_start3A_11 = tpu.memref_slice %arg11[%mul3A_0, %dma_start3A] : memref<10112x128xf32, #tpu.memory_space<vmem_shared>> -> memref<632x128xf32, #tpu.memory_space<vmem_shared>>
      %dma_start3A_12 = arith.constant 0 : i32
      %dma_start3A_13 = tpu.memref_slice %arg5[%mul3A_0, %dma_start3A_12] : memref<10112x128xf32, #tpu.memory_space<hbm>> -> memref<632x128xf32, #tpu.memory_space<hbm>>
      tpu.enqueue_dma source(%dma_start3A_13 : memref<632x128xf32, #tpu.memory_space<hbm>>) target(%dma_start3A_11 : memref<632x128xf32, #tpu.memory_space<vmem_shared>>) target_semaphore(%run_scoped3A : memref<!tpu.dma_semaphore, #tpu.memory_space<semaphore_mem>>)
      %dma_wait3A = arith.constant 0 : i32
      %dma_wait3A_14 = tpu.memref_slice %arg11[%mul3A_0, %dma_wait3A] : memref<10112x128xf32, #tpu.memory_space<vmem_shared>> -> memref<632x128xf32, #tpu.memory_space<vmem_shared>>
      %dma_wait3A_15 = arith.constant 0 : i32
      %dma_wait3A_16 = tpu.memref_slice %arg5[%mul3A_0, %dma_wait3A_15] : memref<10112x128xf32, #tpu.memory_space<hbm>> -> memref<632x128xf32, #tpu.memory_space<hbm>>
      tpu.wait_dma2 semaphore(%run_scoped3A : memref<!tpu.dma_semaphore, #tpu.memory_space<semaphore_mem>>) src(%dma_wait3A_16 : memref<632x128xf32, #tpu.memory_space<hbm>>) dst(%dma_wait3A_14 : memref<632x128xf32, #tpu.memory_space<vmem_shared>>)
      tpu.yield
    }) : () -> ()
    %barrier3A = arith.constant 0 : index
    tpu.barrier barrier_id(%barrier3A)
    %mul3A_1 = arith.constant 20224 : i32
    %mul3A_2 = arith.muli %arg1, %mul3A_1 : i32
    %eq3A = arith.constant 0 : i32
    %eq3A_3 = arith.cmpi eq, %arg0, %eq3A : i32
    %convert_element_type3A = arith.extui %eq3A_3 : i1 to i32
    %cond3A = arith.constant 0 : i32
    %cond3A_4 = arith.cmpi ne, %convert_element_type3A, %cond3A : i32
    scf.if %cond3A_4 {
      %scan3A = arith.constant 0 : i32
      %scan3A_11 = arith.constant 0 : i32
      %scan3A_12 = arith.constant 158 : i32
      %scan3A_13 = arith.addi %scan3A_11, %scan3A_12 : i32
      %scan3A_14 = arith.constant 1 : i32
      scf.for %scan3A_16 = %scan3A_11 to %scan3A_13 step %scan3A_14  : i32 {
        %mul3A_17 = arith.constant 128 : i32
        %mul3A_18 = arith.muli %scan3A_16, %mul3A_17 : i32
        %add3A = arith.addi %mul3A_2, %mul3A_18 : i32
        "tpu.region"() ({
          %run_scoped3A = tpu.sem_alloc : memref<!tpu.dma_semaphore, #tpu.memory_space<semaphore_mem>>
          %dma_start3A_23 = tpu.memref_slice %arg3[%add3A] : memref<323584xi32, #tpu.memory_space<hbm>> -> memref<128xi32, #tpu.memory_space<hbm>>
          %dma_start3A_24 = tpu.memref_slice %arg3[%add3A] : memref<323584xi32, #tpu.memory_space<hbm>> -> memref<128xi32, #tpu.memory_space<hbm>>
          tpu.enqueue_dma source(%dma_start3A_24 : memref<128xi32, #tpu.memory_space<hbm>>) target(%arg8 : memref<128xi32, #tpu.memory_space<vmem>>) target_semaphore(%run_scoped3A : memref<!tpu.dma_semaphore, #tpu.memory_space<semaphore_mem>>)
          %dma_wait3A_25 = tpu.memref_slice %arg3[%add3A] : memref<323584xi32, #tpu.memory_space<hbm>> -> memref<128xi32, #tpu.memory_space<hbm>>
          %dma_wait3A_26 = tpu.memref_slice %arg3[%add3A] : memref<323584xi32, #tpu.memory_space<hbm>> -> memref<128xi32, #tpu.memory_space<hbm>>
          tpu.wait_dma2 semaphore(%run_scoped3A : memref<!tpu.dma_semaphore, #tpu.memory_space<semaphore_mem>>) src(%dma_wait3A_26 : memref<128xi32, #tpu.memory_space<hbm>>) dst(%arg8 : memref<128xi32, #tpu.memory_space<vmem>>)
          tpu.yield
        }) : () -> ()
        "tpu.region"() ({
          %run_scoped3A = tpu.sem_alloc : memref<!tpu.dma_semaphore, #tpu.memory_space<semaphore_mem>>
          %dma_start3A_23 = tpu.memref_slice %arg4[%add3A] : memref<323584xi32, #tpu.memory_space<hbm>> -> memref<128xi32, #tpu.memory_space<hbm>>
          %dma_start3A_24 = tpu.memref_slice %arg4[%add3A] : memref<323584xi32, #tpu.memory_space<hbm>> -> memref<128xi32, #tpu.memory_space<hbm>>
          tpu.enqueue_dma source(%dma_start3A_24 : memref<128xi32, #tpu.memory_space<hbm>>) target(%arg9 : memref<128xi32, #tpu.memory_space<vmem>>) target_semaphore(%run_scoped3A : memref<!tpu.dma_semaphore, #tpu.memory_space<semaphore_mem>>)
          %dma_wait3A_25 = tpu.memref_slice %arg4[%add3A] : memref<323584xi32, #tpu.memory_space<hbm>> -> memref<128xi32, #tpu.memory_space<hbm>>
          %dma_wait3A_26 = tpu.memref_slice %arg4[%add3A] : memref<323584xi32, #tpu.memory_space<hbm>> -> memref<128xi32, #tpu.memory_space<hbm>>
          tpu.wait_dma2 semaphore(%run_scoped3A : memref<!tpu.dma_semaphore, #tpu.memory_space<semaphore_mem>>) src(%dma_wait3A_26 : memref<128xi32, #tpu.memory_space<hbm>>) dst(%arg9 : memref<128xi32, #tpu.memory_space<vmem>>)
          tpu.yield
        }) : () -> ()
        %dma_start3A = arith.constant 0 : i32
        %dma_start3A_19 = arith.constant 0 : i32
        %dma_start3A_20 = tpu.memref_slice %arg2[%dma_start3A, %dma_start3A_19] : memref<10000x128xf32, #tpu.memory_space<hbm>> -> memref<10000x128xf32, #tpu.memory_space<hbm>>
        tpu.enqueue_indirect_dma source(%dma_start3A_20 : memref<10000x128xf32, #tpu.memory_space<hbm>>) target(%arg10 : memref<128x128xf32, #tpu.memory_space<vmem>>) offsets(%arg8 : memref<128xi32, #tpu.memory_space<vmem>>) semaphore(%arg12 : memref<!tpu.dma_semaphore, #tpu.memory_space<semaphore_mem>>)
        %dma_wait3A = arith.constant 0 : i32
        %dma_wait3A_21 = arith.constant 0 : i32
        %dma_wait3A_22 = tpu.memref_slice %arg2[%dma_wait3A, %dma_wait3A_21] : memref<10000x128xf32, #tpu.memory_space<hbm>> -> memref<10000x128xf32, #tpu.memory_space<hbm>>
        tpu.wait_indirect_dma semaphore(%arg12 : memref<!tpu.dma_semaphore, #tpu.memory_space<semaphore_mem>>) src(%dma_wait3A_22 : memref<10000x128xf32, #tpu.memory_space<hbm>>) dst(%arg10 : memref<128x128xf32, #tpu.memory_space<vmem>>)
        "tpu.region"() ({
          %run_scoped3A = tpu.sem_alloc : memref<!tpu.dma_semaphore, #tpu.memory_space<semaphore_mem>>
          %dma_start3A_23 = arith.constant 0 : i32
          %dma_start3A_24 = arith.constant 0 : i32
          %dma_start3A_25 = tpu.memref_slice %arg11[%dma_start3A_23, %dma_start3A_24] : memref<10112x128xf32, #tpu.memory_space<vmem_shared>> -> memref<10112x128xf32, #tpu.memory_space<vmem_shared>>
          tpu.enqueue_indirect_dma source(%arg10 : memref<128x128xf32, #tpu.memory_space<vmem>>) target(%dma_start3A_25 : memref<10112x128xf32, #tpu.memory_space<vmem_shared>>) offsets(%arg9 : memref<128xi32, #tpu.memory_space<vmem>>) semaphore(%run_scoped3A : memref<!tpu.dma_semaphore, #tpu.memory_space<semaphore_mem>>) {add = true}
          %dma_wait3A_26 = arith.constant 0 : i32
          %dma_wait3A_27 = arith.constant 0 : i32
          %dma_wait3A_28 = tpu.memref_slice %arg11[%dma_wait3A_26, %dma_wait3A_27] : memref<10112x128xf32, #tpu.memory_space<vmem_shared>> -> memref<10112x128xf32, #tpu.memory_space<vmem_shared>>
          tpu.wait_indirect_dma semaphore(%run_scoped3A : memref<!tpu.dma_semaphore, #tpu.memory_space<semaphore_mem>>) src(%arg10 : memref<128x128xf32, #tpu.memory_space<vmem>>) dst(%dma_wait3A_28 : memref<10112x128xf32, #tpu.memory_space<vmem_shared>>)
          tpu.yield
        }) : () -> ()
      }
      %scan3A_15 = arith.constant 158 : i32
    } else {
    }
    %eq3A_5 = arith.constant 1 : i32
    %eq3A_6 = arith.cmpi eq, %arg0, %eq3A_5 : i32
    %convert_element_type3A_7 = arith.extui %eq3A_6 : i1 to i32
    %cond3A_8 = arith.constant 0 : i32
    %cond3A_9 = arith.cmpi ne, %convert_element_type3A_7, %cond3A_8 : i32
    scf.if %cond3A_9 {
      "tpu.region"() ({
        %run_scoped3A = tpu.sem_alloc : memref<!tpu.dma_semaphore, #tpu.memory_space<semaphore_mem>>
        tpu.enqueue_dma source(%arg6 : memref<128x128xf32, #tpu.memory_space<hbm>>) target(%arg10 : memref<128x128xf32, #tpu.memory_space<vmem>>) target_semaphore(%run_scoped3A : memref<!tpu.dma_semaphore, #tpu.memory_space<semaphore_mem>>)
        tpu.wait_dma2 semaphore(%run_scoped3A : memref<!tpu.dma_semaphore, #tpu.memory_space<semaphore_mem>>) src(%arg6 : memref<128x128xf32, #tpu.memory_space<hbm>>) dst(%arg10 : memref<128x128xf32, #tpu.memory_space<vmem>>)
        tpu.yield
      }) : () -> ()
      %scan3A = arith.constant 0 : i32
      %scan3A_11 = arith.constant 0 : i32
      %scan3A_12 = arith.constant 158 : i32
      %scan3A_13 = arith.addi %scan3A_11, %scan3A_12 : i32
      %scan3A_14 = arith.constant 1 : i32
      scf.for %scan3A_16 = %scan3A_11 to %scan3A_13 step %scan3A_14  : i32 {
        %mul3A_17 = arith.constant 128 : i32
        %mul3A_18 = arith.muli %scan3A_16, %mul3A_17 : i32
        %add3A = arith.addi %mul3A_2, %mul3A_18 : i32
        "tpu.region"() ({
          %run_scoped3A = tpu.sem_alloc : memref<!tpu.dma_semaphore, #tpu.memory_space<semaphore_mem>>
          %dma_start3A = tpu.memref_slice %arg4[%add3A] : memref<323584xi32, #tpu.memory_space<hbm>> -> memref<128xi32, #tpu.memory_space<hbm>>
          %dma_start3A_19 = tpu.memref_slice %arg4[%add3A] : memref<323584xi32, #tpu.memory_space<hbm>> -> memref<128xi32, #tpu.memory_space<hbm>>
          tpu.enqueue_dma source(%dma_start3A_19 : memref<128xi32, #tpu.memory_space<hbm>>) target(%arg9 : memref<128xi32, #tpu.memory_space<vmem>>) target_semaphore(%run_scoped3A : memref<!tpu.dma_semaphore, #tpu.memory_space<semaphore_mem>>)
          %dma_wait3A = tpu.memref_slice %arg4[%add3A] : memref<323584xi32, #tpu.memory_space<hbm>> -> memref<128xi32, #tpu.memory_space<hbm>>
          %dma_wait3A_20 = tpu.memref_slice %arg4[%add3A] : memref<323584xi32, #tpu.memory_space<hbm>> -> memref<128xi32, #tpu.memory_space<hbm>>
          tpu.wait_dma2 semaphore(%run_scoped3A : memref<!tpu.dma_semaphore, #tpu.memory_space<semaphore_mem>>) src(%dma_wait3A_20 : memref<128xi32, #tpu.memory_space<hbm>>) dst(%arg9 : memref<128xi32, #tpu.memory_space<vmem>>)
          tpu.yield
        }) : () -> ()
        "tpu.region"() ({
          %run_scoped3A = tpu.sem_alloc : memref<!tpu.dma_semaphore, #tpu.memory_space<semaphore_mem>>
          %dma_start3A = arith.constant 0 : i32
          %dma_start3A_19 = arith.constant 0 : i32
          %dma_start3A_20 = tpu.memref_slice %arg11[%dma_start3A, %dma_start3A_19] : memref<10112x128xf32, #tpu.memory_space<vmem_shared>> -> memref<10112x128xf32, #tpu.memory_space<vmem_shared>>
          tpu.enqueue_indirect_dma source(%arg10 : memref<128x128xf32, #tpu.memory_space<vmem>>) target(%dma_start3A_20 : memref<10112x128xf32, #tpu.memory_space<vmem_shared>>) offsets(%arg9 : memref<128xi32, #tpu.memory_space<vmem>>) semaphore(%run_scoped3A : memref<!tpu.dma_semaphore, #tpu.memory_space<semaphore_mem>>) {add = true}
          %dma_wait3A = arith.constant 0 : i32
          %dma_wait3A_21 = arith.constant 0 : i32
          %dma_wait3A_22 = tpu.memref_slice %arg11[%dma_wait3A, %dma_wait3A_21] : memref<10112x128xf32, #tpu.memory_space<vmem_shared>> -> memref<10112x128xf32, #tpu.memory_space<vmem_shared>>
          tpu.wait_indirect_dma semaphore(%run_scoped3A : memref<!tpu.dma_semaphore, #tpu.memory_space<semaphore_mem>>) src(%arg10 : memref<128x128xf32, #tpu.memory_space<vmem>>) dst(%dma_wait3A_22 : memref<10112x128xf32, #tpu.memory_space<vmem_shared>>)
          tpu.yield
        }) : () -> ()
      }
      %scan3A_15 = arith.constant 158 : i32
    } else {
    }
    %barrier3A_10 = arith.constant 0 : index
    tpu.barrier barrier_id(%barrier3A_10)
    "tpu.region"() ({
      %run_scoped3A = tpu.sem_alloc : memref<!tpu.dma_semaphore, #tpu.memory_space<semaphore_mem>>
      %dma_start3A = arith.constant 0 : i32
      %dma_start3A_11 = arith.constant 0 : i32
      %dma_start3A_12 = tpu.memref_slice %arg7[%arg0, %dma_start3A, %dma_start3A_11] : memref<2x10112x128xf32, #tpu.memory_space<hbm>> -> memref<1x10112x128xf32, #tpu.memory_space<hbm>>
      %dma_start3A_13 = tpu.memref_squeeze %dma_start3A_12 : memref<1x10112x128xf32, #tpu.memory_space<hbm>> -> memref<10112x128xf32, #tpu.memory_space<hbm>>
      %dma_start3A_14 = arith.constant 0 : i32
      %dma_start3A_15 = tpu.memref_slice %dma_start3A_13[%mul3A_0, %dma_start3A_14] : memref<10112x128xf32, #tpu.memory_space<hbm>> -> memref<632x128xf32, #tpu.memory_space<hbm>>
      %dma_start3A_16 = arith.constant 0 : i32
      %dma_start3A_17 = tpu.memref_slice %arg11[%mul3A_0, %dma_start3A_16] : memref<10112x128xf32, #tpu.memory_space<vmem_shared>> -> memref<632x128xf32, #tpu.memory_space<vmem_shared>>
      tpu.enqueue_dma source(%dma_start3A_17 : memref<632x128xf32, #tpu.memory_space<vmem_shared>>) target(%dma_start3A_15 : memref<632x128xf32, #tpu.memory_space<hbm>>) target_semaphore(%run_scoped3A : memref<!tpu.dma_semaphore, #tpu.memory_space<semaphore_mem>>)
      %dma_wait3A = arith.constant 0 : i32
      %dma_wait3A_18 = arith.constant 0 : i32
      %dma_wait3A_19 = tpu.memref_slice %arg7[%arg0, %dma_wait3A, %dma_wait3A_18] : memref<2x10112x128xf32, #tpu.memory_space<hbm>> -> memref<1x10112x128xf32, #tpu.memory_space<hbm>>
      %dma_wait3A_20 = tpu.memref_squeeze %dma_wait3A_19 : memref<1x10112x128xf32, #tpu.memory_space<hbm>> -> memref<10112x128xf32, #tpu.memory_space<hbm>>
      %dma_wait3A_21 = arith.constant 0 : i32
      %dma_wait3A_22 = tpu.memref_slice %dma_wait3A_20[%mul3A_0, %dma_wait3A_21] : memref<10112x128xf32, #tpu.memory_space<hbm>> -> memref<632x128xf32, #tpu.memory_space<hbm>>
      %dma_wait3A_23 = arith.constant 0 : i32
      %dma_wait3A_24 = tpu.memref_slice %arg11[%mul3A_0, %dma_wait3A_23] : memref<10112x128xf32, #tpu.memory_space<vmem_shared>> -> memref<632x128xf32, #tpu.memory_space<vmem_shared>>
      tpu.wait_dma2 semaphore(%run_scoped3A : memref<!tpu.dma_semaphore, #tpu.memory_space<semaphore_mem>>) src(%dma_wait3A_24 : memref<632x128xf32, #tpu.memory_space<vmem_shared>>) dst(%dma_wait3A_22 : memref<632x128xf32, #tpu.memory_space<hbm>>)
      tpu.yield
    }) : () -> ()
    return
  }
}

#map = affine_map<(d0, d1) -> (0, 0)>
#map1 = affine_map<(d0, d1) -> (0)>
#map2 = affine_map<(d0, d1) -> (0, 0, 0)>
module attributes {stable_mosaic.version = 14 : i64} {
  func.func @seg_kernel(%arg0: i32, %arg1: i32, %arg2: memref<10000x128xf32, #tpu.memory_space<hbm>>, %arg3: memref<323584xi32, #tpu.memory_space<hbm>>, %arg4: memref<323584xi32, #tpu.memory_space<hbm>>, %arg5: memref<10112x128xf32, #tpu.memory_space<hbm>>, %arg6: memref<128x128xf32, #tpu.memory_space<hbm>>, %arg7: memref<2x10112x128xf32, #tpu.memory_space<hbm>>, %arg8: memref<128xi32, #tpu.memory_space<vmem>>, %arg9: memref<128xi32, #tpu.memory_space<vmem>>, %arg10: memref<128x128xf32, #tpu.memory_space<vmem>>, %arg11: memref<10112x128xf32, #tpu.memory_space<vmem_shared>>, %arg12: memref<!tpu.dma_semaphore, #tpu.memory_space<semaphore_mem>>) attributes {dimension_semantics = [#tpu.dimension_semantics<core_parallel>, #tpu.dimension_semantics<subcore_parallel>], iteration_bounds = array<i64: 2, 16>, scalar_prefetch = 0 : i64, scratch_operands = 5 : i64, tpu.core_type = #tpu.core_type<sc_vector_subcore>, window_params = [{transform_indices = #map}, {transform_indices = #map1}, {transform_indices = #map1}, {transform_indices = #map}, {transform_indices = #map}, {transform_indices = #map2}]} {
    %mul3A = arith.constant 632 : i32
    %mul3A_0 = arith.muli %arg1, %mul3A : i32
    "tpu.region"() ({
      %run_scoped3A = tpu.sem_alloc : memref<!tpu.dma_semaphore, #tpu.memory_space<semaphore_mem>>
      %dma_start3A = arith.constant 0 : i32
      %dma_start3A_11 = tpu.memref_slice %arg11[%mul3A_0, %dma_start3A] : memref<10112x128xf32, #tpu.memory_space<vmem_shared>> -> memref<632x128xf32, #tpu.memory_space<vmem_shared>>
      %dma_start3A_12 = arith.constant 0 : i32
      %dma_start3A_13 = tpu.memref_slice %arg5[%mul3A_0, %dma_start3A_12] : memref<10112x128xf32, #tpu.memory_space<hbm>> -> memref<632x128xf32, #tpu.memory_space<hbm>>
      tpu.enqueue_dma source(%dma_start3A_13 : memref<632x128xf32, #tpu.memory_space<hbm>>) target(%dma_start3A_11 : memref<632x128xf32, #tpu.memory_space<vmem_shared>>) target_semaphore(%run_scoped3A : memref<!tpu.dma_semaphore, #tpu.memory_space<semaphore_mem>>)
      %dma_wait3A = arith.constant 0 : i32
      %dma_wait3A_14 = tpu.memref_slice %arg11[%mul3A_0, %dma_wait3A] : memref<10112x128xf32, #tpu.memory_space<vmem_shared>> -> memref<632x128xf32, #tpu.memory_space<vmem_shared>>
      %dma_wait3A_15 = arith.constant 0 : i32
      %dma_wait3A_16 = tpu.memref_slice %arg5[%mul3A_0, %dma_wait3A_15] : memref<10112x128xf32, #tpu.memory_space<hbm>> -> memref<632x128xf32, #tpu.memory_space<hbm>>
      tpu.wait_dma2 semaphore(%run_scoped3A : memref<!tpu.dma_semaphore, #tpu.memory_space<semaphore_mem>>) src(%dma_wait3A_16 : memref<632x128xf32, #tpu.memory_space<hbm>>) dst(%dma_wait3A_14 : memref<632x128xf32, #tpu.memory_space<vmem_shared>>)
      tpu.yield
    }) : () -> ()
    %barrier3A = arith.constant 0 : index
    tpu.barrier barrier_id(%barrier3A)
    %mul3A_1 = arith.constant 16 : i32
    %mul3A_2 = arith.muli %arg0, %mul3A_1 : i32
    %add3A = arith.addi %mul3A_2, %arg1 : i32
    %mul3A_3 = arith.constant 10112 : i32
    %mul3A_4 = arith.muli %add3A, %mul3A_3 : i32
    %scan3A = arith.constant 0 : i32
    %scan3A_5 = arith.constant 0 : i32
    %scan3A_6 = arith.constant 79 : i32
    %scan3A_7 = arith.addi %scan3A_5, %scan3A_6 : i32
    %scan3A_8 = arith.constant 1 : i32
    scf.for %scan3A_11 = %scan3A_5 to %scan3A_7 step %scan3A_8  : i32 {
      %mul3A_12 = arith.constant 128 : i32
      %mul3A_13 = arith.muli %scan3A_11, %mul3A_12 : i32
      %add3A_14 = arith.addi %mul3A_4, %mul3A_13 : i32
      "tpu.region"() ({
        %run_scoped3A = tpu.sem_alloc : memref<!tpu.dma_semaphore, #tpu.memory_space<semaphore_mem>>
        %dma_start3A_19 = tpu.memref_slice %arg3[%add3A_14] : memref<323584xi32, #tpu.memory_space<hbm>> -> memref<128xi32, #tpu.memory_space<hbm>>
        %dma_start3A_20 = tpu.memref_slice %arg3[%add3A_14] : memref<323584xi32, #tpu.memory_space<hbm>> -> memref<128xi32, #tpu.memory_space<hbm>>
        tpu.enqueue_dma source(%dma_start3A_20 : memref<128xi32, #tpu.memory_space<hbm>>) target(%arg8 : memref<128xi32, #tpu.memory_space<vmem>>) target_semaphore(%run_scoped3A : memref<!tpu.dma_semaphore, #tpu.memory_space<semaphore_mem>>)
        %dma_wait3A_21 = tpu.memref_slice %arg3[%add3A_14] : memref<323584xi32, #tpu.memory_space<hbm>> -> memref<128xi32, #tpu.memory_space<hbm>>
        %dma_wait3A_22 = tpu.memref_slice %arg3[%add3A_14] : memref<323584xi32, #tpu.memory_space<hbm>> -> memref<128xi32, #tpu.memory_space<hbm>>
        tpu.wait_dma2 semaphore(%run_scoped3A : memref<!tpu.dma_semaphore, #tpu.memory_space<semaphore_mem>>) src(%dma_wait3A_22 : memref<128xi32, #tpu.memory_space<hbm>>) dst(%arg8 : memref<128xi32, #tpu.memory_space<vmem>>)
        tpu.yield
      }) : () -> ()
      "tpu.region"() ({
        %run_scoped3A = tpu.sem_alloc : memref<!tpu.dma_semaphore, #tpu.memory_space<semaphore_mem>>
        %dma_start3A_19 = tpu.memref_slice %arg4[%add3A_14] : memref<323584xi32, #tpu.memory_space<hbm>> -> memref<128xi32, #tpu.memory_space<hbm>>
        %dma_start3A_20 = tpu.memref_slice %arg4[%add3A_14] : memref<323584xi32, #tpu.memory_space<hbm>> -> memref<128xi32, #tpu.memory_space<hbm>>
        tpu.enqueue_dma source(%dma_start3A_20 : memref<128xi32, #tpu.memory_space<hbm>>) target(%arg9 : memref<128xi32, #tpu.memory_space<vmem>>) target_semaphore(%run_scoped3A : memref<!tpu.dma_semaphore, #tpu.memory_space<semaphore_mem>>)
        %dma_wait3A_21 = tpu.memref_slice %arg4[%add3A_14] : memref<323584xi32, #tpu.memory_space<hbm>> -> memref<128xi32, #tpu.memory_space<hbm>>
        %dma_wait3A_22 = tpu.memref_slice %arg4[%add3A_14] : memref<323584xi32, #tpu.memory_space<hbm>> -> memref<128xi32, #tpu.memory_space<hbm>>
        tpu.wait_dma2 semaphore(%run_scoped3A : memref<!tpu.dma_semaphore, #tpu.memory_space<semaphore_mem>>) src(%dma_wait3A_22 : memref<128xi32, #tpu.memory_space<hbm>>) dst(%arg9 : memref<128xi32, #tpu.memory_space<vmem>>)
        tpu.yield
      }) : () -> ()
      %dma_start3A = arith.constant 0 : i32
      %dma_start3A_15 = arith.constant 0 : i32
      %dma_start3A_16 = tpu.memref_slice %arg2[%dma_start3A, %dma_start3A_15] : memref<10000x128xf32, #tpu.memory_space<hbm>> -> memref<10000x128xf32, #tpu.memory_space<hbm>>
      tpu.enqueue_indirect_dma source(%dma_start3A_16 : memref<10000x128xf32, #tpu.memory_space<hbm>>) target(%arg10 : memref<128x128xf32, #tpu.memory_space<vmem>>) offsets(%arg8 : memref<128xi32, #tpu.memory_space<vmem>>) semaphore(%arg12 : memref<!tpu.dma_semaphore, #tpu.memory_space<semaphore_mem>>)
      %dma_wait3A = arith.constant 0 : i32
      %dma_wait3A_17 = arith.constant 0 : i32
      %dma_wait3A_18 = tpu.memref_slice %arg2[%dma_wait3A, %dma_wait3A_17] : memref<10000x128xf32, #tpu.memory_space<hbm>> -> memref<10000x128xf32, #tpu.memory_space<hbm>>
      tpu.wait_indirect_dma semaphore(%arg12 : memref<!tpu.dma_semaphore, #tpu.memory_space<semaphore_mem>>) src(%dma_wait3A_18 : memref<10000x128xf32, #tpu.memory_space<hbm>>) dst(%arg10 : memref<128x128xf32, #tpu.memory_space<vmem>>)
      "tpu.region"() ({
        %run_scoped3A = tpu.sem_alloc : memref<!tpu.dma_semaphore, #tpu.memory_space<semaphore_mem>>
        %dma_start3A_19 = arith.constant 0 : i32
        %dma_start3A_20 = arith.constant 0 : i32
        %dma_start3A_21 = tpu.memref_slice %arg11[%dma_start3A_19, %dma_start3A_20] : memref<10112x128xf32, #tpu.memory_space<vmem_shared>> -> memref<10112x128xf32, #tpu.memory_space<vmem_shared>>
        tpu.enqueue_indirect_dma source(%arg10 : memref<128x128xf32, #tpu.memory_space<vmem>>) target(%dma_start3A_21 : memref<10112x128xf32, #tpu.memory_space<vmem_shared>>) offsets(%arg9 : memref<128xi32, #tpu.memory_space<vmem>>) semaphore(%run_scoped3A : memref<!tpu.dma_semaphore, #tpu.memory_space<semaphore_mem>>) {add = true}
        %dma_wait3A_22 = arith.constant 0 : i32
        %dma_wait3A_23 = arith.constant 0 : i32
        %dma_wait3A_24 = tpu.memref_slice %arg11[%dma_wait3A_22, %dma_wait3A_23] : memref<10112x128xf32, #tpu.memory_space<vmem_shared>> -> memref<10112x128xf32, #tpu.memory_space<vmem_shared>>
        tpu.wait_indirect_dma semaphore(%run_scoped3A : memref<!tpu.dma_semaphore, #tpu.memory_space<semaphore_mem>>) src(%arg10 : memref<128x128xf32, #tpu.memory_space<vmem>>) dst(%dma_wait3A_24 : memref<10112x128xf32, #tpu.memory_space<vmem_shared>>)
        tpu.yield
      }) : () -> ()
    }
    %scan3A_9 = arith.constant 79 : i32
    %barrier3A_10 = arith.constant 0 : index
    tpu.barrier barrier_id(%barrier3A_10)
    "tpu.region"() ({
      %run_scoped3A = tpu.sem_alloc : memref<!tpu.dma_semaphore, #tpu.memory_space<semaphore_mem>>
      %dma_start3A = arith.constant 0 : i32
      %dma_start3A_11 = arith.constant 0 : i32
      %dma_start3A_12 = tpu.memref_slice %arg7[%arg0, %dma_start3A, %dma_start3A_11] : memref<2x10112x128xf32, #tpu.memory_space<hbm>> -> memref<1x10112x128xf32, #tpu.memory_space<hbm>>
      %dma_start3A_13 = tpu.memref_squeeze %dma_start3A_12 : memref<1x10112x128xf32, #tpu.memory_space<hbm>> -> memref<10112x128xf32, #tpu.memory_space<hbm>>
      %dma_start3A_14 = arith.constant 0 : i32
      %dma_start3A_15 = tpu.memref_slice %dma_start3A_13[%mul3A_0, %dma_start3A_14] : memref<10112x128xf32, #tpu.memory_space<hbm>> -> memref<632x128xf32, #tpu.memory_space<hbm>>
      %dma_start3A_16 = arith.constant 0 : i32
      %dma_start3A_17 = tpu.memref_slice %arg11[%mul3A_0, %dma_start3A_16] : memref<10112x128xf32, #tpu.memory_space<vmem_shared>> -> memref<632x128xf32, #tpu.memory_space<vmem_shared>>
      tpu.enqueue_dma source(%dma_start3A_17 : memref<632x128xf32, #tpu.memory_space<vmem_shared>>) target(%dma_start3A_15 : memref<632x128xf32, #tpu.memory_space<hbm>>) target_semaphore(%run_scoped3A : memref<!tpu.dma_semaphore, #tpu.memory_space<semaphore_mem>>)
      %dma_wait3A = arith.constant 0 : i32
      %dma_wait3A_18 = arith.constant 0 : i32
      %dma_wait3A_19 = tpu.memref_slice %arg7[%arg0, %dma_wait3A, %dma_wait3A_18] : memref<2x10112x128xf32, #tpu.memory_space<hbm>> -> memref<1x10112x128xf32, #tpu.memory_space<hbm>>
      %dma_wait3A_20 = tpu.memref_squeeze %dma_wait3A_19 : memref<1x10112x128xf32, #tpu.memory_space<hbm>> -> memref<10112x128xf32, #tpu.memory_space<hbm>>
      %dma_wait3A_21 = arith.constant 0 : i32
      %dma_wait3A_22 = tpu.memref_slice %dma_wait3A_20[%mul3A_0, %dma_wait3A_21] : memref<10112x128xf32, #tpu.memory_space<hbm>> -> memref<632x128xf32, #tpu.memory_space<hbm>>
      %dma_wait3A_23 = arith.constant 0 : i32
      %dma_wait3A_24 = tpu.memref_slice %arg11[%mul3A_0, %dma_wait3A_23] : memref<10112x128xf32, #tpu.memory_space<vmem_shared>> -> memref<632x128xf32, #tpu.memory_space<vmem_shared>>
      tpu.wait_dma2 semaphore(%run_scoped3A : memref<!tpu.dma_semaphore, #tpu.memory_space<semaphore_mem>>) src(%dma_wait3A_24 : memref<632x128xf32, #tpu.memory_space<vmem_shared>>) dst(%dma_wait3A_22 : memref<632x128xf32, #tpu.memory_space<hbm>>)
      tpu.yield
    }) : () -> ()
    return
  }
}

#map = affine_map<(d0, d1) -> (0, 0, 0)>
#map1 = affine_map<(d0, d1) -> (0)>
#map2 = affine_map<(d0, d1) -> (0, 0)>
module attributes {stable_mosaic.version = 14 : i64} {
  func.func @seg_kernel(%arg0: i32, %arg1: i32, %arg2: memref<2x10000x128xf32, #tpu.memory_space<hbm>>, %arg3: memref<323584xi32, #tpu.memory_space<hbm>>, %arg4: memref<323584xi32, #tpu.memory_space<hbm>>, %arg5: memref<10112x128xf32, #tpu.memory_space<hbm>>, %arg6: memref<128x128xf32, #tpu.memory_space<hbm>>, %arg7: memref<2x10112x128xf32, #tpu.memory_space<hbm>>, %arg8: memref<128xi32, #tpu.memory_space<vmem>>, %arg9: memref<128xi32, #tpu.memory_space<vmem>>, %arg10: memref<128x128xf32, #tpu.memory_space<vmem>>, %arg11: memref<10112x128xf32, #tpu.memory_space<vmem_shared>>, %arg12: memref<!tpu.dma_semaphore, #tpu.memory_space<semaphore_mem>>) attributes {dimension_semantics = [#tpu.dimension_semantics<core_parallel>, #tpu.dimension_semantics<subcore_parallel>], iteration_bounds = array<i64: 2, 16>, scalar_prefetch = 0 : i64, scratch_operands = 5 : i64, tpu.core_type = #tpu.core_type<sc_vector_subcore>, window_params = [{transform_indices = #map}, {transform_indices = #map1}, {transform_indices = #map1}, {transform_indices = #map2}, {transform_indices = #map2}, {transform_indices = #map}]} {
    %mul3A = arith.constant 632 : i32
    %mul3A_0 = arith.muli %arg1, %mul3A : i32
    "tpu.region"() ({
      %run_scoped3A = tpu.sem_alloc : memref<!tpu.dma_semaphore, #tpu.memory_space<semaphore_mem>>
      %dma_start3A = arith.constant 0 : i32
      %dma_start3A_9 = tpu.memref_slice %arg11[%mul3A_0, %dma_start3A] : memref<10112x128xf32, #tpu.memory_space<vmem_shared>> -> memref<632x128xf32, #tpu.memory_space<vmem_shared>>
      %dma_start3A_10 = arith.constant 0 : i32
      %dma_start3A_11 = tpu.memref_slice %arg5[%mul3A_0, %dma_start3A_10] : memref<10112x128xf32, #tpu.memory_space<hbm>> -> memref<632x128xf32, #tpu.memory_space<hbm>>
      tpu.enqueue_dma source(%dma_start3A_11 : memref<632x128xf32, #tpu.memory_space<hbm>>) target(%dma_start3A_9 : memref<632x128xf32, #tpu.memory_space<vmem_shared>>) target_semaphore(%run_scoped3A : memref<!tpu.dma_semaphore, #tpu.memory_space<semaphore_mem>>)
      %dma_wait3A = arith.constant 0 : i32
      %dma_wait3A_12 = tpu.memref_slice %arg11[%mul3A_0, %dma_wait3A] : memref<10112x128xf32, #tpu.memory_space<vmem_shared>> -> memref<632x128xf32, #tpu.memory_space<vmem_shared>>
      %dma_wait3A_13 = arith.constant 0 : i32
      %dma_wait3A_14 = tpu.memref_slice %arg5[%mul3A_0, %dma_wait3A_13] : memref<10112x128xf32, #tpu.memory_space<hbm>> -> memref<632x128xf32, #tpu.memory_space<hbm>>
      tpu.wait_dma2 semaphore(%run_scoped3A : memref<!tpu.dma_semaphore, #tpu.memory_space<semaphore_mem>>) src(%dma_wait3A_14 : memref<632x128xf32, #tpu.memory_space<hbm>>) dst(%dma_wait3A_12 : memref<632x128xf32, #tpu.memory_space<vmem_shared>>)
      tpu.yield
    }) : () -> ()
    %barrier3A = arith.constant 0 : index
    tpu.barrier barrier_id(%barrier3A)
    %mul3A_1 = arith.constant 20224 : i32
    %mul3A_2 = arith.muli %arg1, %mul3A_1 : i32
    %scan3A = arith.constant 0 : i32
    %scan3A_3 = arith.constant 0 : i32
    %scan3A_4 = arith.constant 158 : i32
    %scan3A_5 = arith.addi %scan3A_3, %scan3A_4 : i32
    %scan3A_6 = arith.constant 1 : i32
    scf.for %scan3A_9 = %scan3A_3 to %scan3A_5 step %scan3A_6  : i32 {
      %mul3A_10 = arith.constant 128 : i32
      %mul3A_11 = arith.muli %scan3A_9, %mul3A_10 : i32
      %add3A = arith.addi %mul3A_2, %mul3A_11 : i32
      "tpu.region"() ({
        %run_scoped3A = tpu.sem_alloc : memref<!tpu.dma_semaphore, #tpu.memory_space<semaphore_mem>>
        %dma_start3A_24 = tpu.memref_slice %arg3[%add3A] : memref<323584xi32, #tpu.memory_space<hbm>> -> memref<128xi32, #tpu.memory_space<hbm>>
        %dma_start3A_25 = tpu.memref_slice %arg3[%add3A] : memref<323584xi32, #tpu.memory_space<hbm>> -> memref<128xi32, #tpu.memory_space<hbm>>
        tpu.enqueue_dma source(%dma_start3A_25 : memref<128xi32, #tpu.memory_space<hbm>>) target(%arg8 : memref<128xi32, #tpu.memory_space<vmem>>) target_semaphore(%run_scoped3A : memref<!tpu.dma_semaphore, #tpu.memory_space<semaphore_mem>>)
        %dma_wait3A_26 = tpu.memref_slice %arg3[%add3A] : memref<323584xi32, #tpu.memory_space<hbm>> -> memref<128xi32, #tpu.memory_space<hbm>>
        %dma_wait3A_27 = tpu.memref_slice %arg3[%add3A] : memref<323584xi32, #tpu.memory_space<hbm>> -> memref<128xi32, #tpu.memory_space<hbm>>
        tpu.wait_dma2 semaphore(%run_scoped3A : memref<!tpu.dma_semaphore, #tpu.memory_space<semaphore_mem>>) src(%dma_wait3A_27 : memref<128xi32, #tpu.memory_space<hbm>>) dst(%arg8 : memref<128xi32, #tpu.memory_space<vmem>>)
        tpu.yield
      }) : () -> ()
      "tpu.region"() ({
        %run_scoped3A = tpu.sem_alloc : memref<!tpu.dma_semaphore, #tpu.memory_space<semaphore_mem>>
        %dma_start3A_24 = tpu.memref_slice %arg4[%add3A] : memref<323584xi32, #tpu.memory_space<hbm>> -> memref<128xi32, #tpu.memory_space<hbm>>
        %dma_start3A_25 = tpu.memref_slice %arg4[%add3A] : memref<323584xi32, #tpu.memory_space<hbm>> -> memref<128xi32, #tpu.memory_space<hbm>>
        tpu.enqueue_dma source(%dma_start3A_25 : memref<128xi32, #tpu.memory_space<hbm>>) target(%arg9 : memref<128xi32, #tpu.memory_space<vmem>>) target_semaphore(%run_scoped3A : memref<!tpu.dma_semaphore, #tpu.memory_space<semaphore_mem>>)
        %dma_wait3A_26 = tpu.memref_slice %arg4[%add3A] : memref<323584xi32, #tpu.memory_space<hbm>> -> memref<128xi32, #tpu.memory_space<hbm>>
        %dma_wait3A_27 = tpu.memref_slice %arg4[%add3A] : memref<323584xi32, #tpu.memory_space<hbm>> -> memref<128xi32, #tpu.memory_space<hbm>>
        tpu.wait_dma2 semaphore(%run_scoped3A : memref<!tpu.dma_semaphore, #tpu.memory_space<semaphore_mem>>) src(%dma_wait3A_27 : memref<128xi32, #tpu.memory_space<hbm>>) dst(%arg9 : memref<128xi32, #tpu.memory_space<vmem>>)
        tpu.yield
      }) : () -> ()
      %dma_start3A = arith.constant 0 : i32
      %dma_start3A_12 = arith.constant 0 : i32
      %dma_start3A_13 = tpu.memref_slice %arg2[%arg0, %dma_start3A, %dma_start3A_12] : memref<2x10000x128xf32, #tpu.memory_space<hbm>> -> memref<1x10000x128xf32, #tpu.memory_space<hbm>>
      %dma_start3A_14 = tpu.memref_squeeze %dma_start3A_13 : memref<1x10000x128xf32, #tpu.memory_space<hbm>> -> memref<10000x128xf32, #tpu.memory_space<hbm>>
      %dma_start3A_15 = arith.constant 0 : i32
      %dma_start3A_16 = arith.constant 0 : i32
      %dma_start3A_17 = tpu.memref_slice %dma_start3A_14[%dma_start3A_15, %dma_start3A_16] : memref<10000x128xf32, #tpu.memory_space<hbm>> -> memref<10000x128xf32, #tpu.memory_space<hbm>>
      tpu.enqueue_indirect_dma source(%dma_start3A_17 : memref<10000x128xf32, #tpu.memory_space<hbm>>) target(%arg10 : memref<128x128xf32, #tpu.memory_space<vmem>>) offsets(%arg8 : memref<128xi32, #tpu.memory_space<vmem>>) semaphore(%arg12 : memref<!tpu.dma_semaphore, #tpu.memory_space<semaphore_mem>>)
      %dma_wait3A = arith.constant 0 : i32
      %dma_wait3A_18 = arith.constant 0 : i32
      %dma_wait3A_19 = tpu.memref_slice %arg2[%arg0, %dma_wait3A, %dma_wait3A_18] : memref<2x10000x128xf32, #tpu.memory_space<hbm>> -> memref<1x10000x128xf32, #tpu.memory_space<hbm>>
      %dma_wait3A_20 = tpu.memref_squeeze %dma_wait3A_19 : memref<1x10000x128xf32, #tpu.memory_space<hbm>> -> memref<10000x128xf32, #tpu.memory_space<hbm>>
      %dma_wait3A_21 = arith.constant 0 : i32
      %dma_wait3A_22 = arith.constant 0 : i32
      %dma_wait3A_23 = tpu.memref_slice %dma_wait3A_20[%dma_wait3A_21, %dma_wait3A_22] : memref<10000x128xf32, #tpu.memory_space<hbm>> -> memref<10000x128xf32, #tpu.memory_space<hbm>>
      tpu.wait_indirect_dma semaphore(%arg12 : memref<!tpu.dma_semaphore, #tpu.memory_space<semaphore_mem>>) src(%dma_wait3A_23 : memref<10000x128xf32, #tpu.memory_space<hbm>>) dst(%arg10 : memref<128x128xf32, #tpu.memory_space<vmem>>)
      "tpu.region"() ({
        %run_scoped3A = tpu.sem_alloc : memref<!tpu.dma_semaphore, #tpu.memory_space<semaphore_mem>>
        %dma_start3A_24 = arith.constant 0 : i32
        %dma_start3A_25 = arith.constant 0 : i32
        %dma_start3A_26 = tpu.memref_slice %arg11[%dma_start3A_24, %dma_start3A_25] : memref<10112x128xf32, #tpu.memory_space<vmem_shared>> -> memref<10112x128xf32, #tpu.memory_space<vmem_shared>>
        tpu.enqueue_indirect_dma source(%arg10 : memref<128x128xf32, #tpu.memory_space<vmem>>) target(%dma_start3A_26 : memref<10112x128xf32, #tpu.memory_space<vmem_shared>>) offsets(%arg9 : memref<128xi32, #tpu.memory_space<vmem>>) semaphore(%run_scoped3A : memref<!tpu.dma_semaphore, #tpu.memory_space<semaphore_mem>>) {add = true}
        %dma_wait3A_27 = arith.constant 0 : i32
        %dma_wait3A_28 = arith.constant 0 : i32
        %dma_wait3A_29 = tpu.memref_slice %arg11[%dma_wait3A_27, %dma_wait3A_28] : memref<10112x128xf32, #tpu.memory_space<vmem_shared>> -> memref<10112x128xf32, #tpu.memory_space<vmem_shared>>
        tpu.wait_indirect_dma semaphore(%run_scoped3A : memref<!tpu.dma_semaphore, #tpu.memory_space<semaphore_mem>>) src(%arg10 : memref<128x128xf32, #tpu.memory_space<vmem>>) dst(%dma_wait3A_29 : memref<10112x128xf32, #tpu.memory_space<vmem_shared>>)
        tpu.yield
      }) : () -> ()
    }
    %scan3A_7 = arith.constant 158 : i32
    %barrier3A_8 = arith.constant 0 : index
    tpu.barrier barrier_id(%barrier3A_8)
    "tpu.region"() ({
      %run_scoped3A = tpu.sem_alloc : memref<!tpu.dma_semaphore, #tpu.memory_space<semaphore_mem>>
      %dma_start3A = arith.constant 0 : i32
      %dma_start3A_9 = arith.constant 0 : i32
      %dma_start3A_10 = tpu.memref_slice %arg7[%arg0, %dma_start3A, %dma_start3A_9] : memref<2x10112x128xf32, #tpu.memory_space<hbm>> -> memref<1x10112x128xf32, #tpu.memory_space<hbm>>
      %dma_start3A_11 = tpu.memref_squeeze %dma_start3A_10 : memref<1x10112x128xf32, #tpu.memory_space<hbm>> -> memref<10112x128xf32, #tpu.memory_space<hbm>>
      %dma_start3A_12 = arith.constant 0 : i32
      %dma_start3A_13 = tpu.memref_slice %dma_start3A_11[%mul3A_0, %dma_start3A_12] : memref<10112x128xf32, #tpu.memory_space<hbm>> -> memref<632x128xf32, #tpu.memory_space<hbm>>
      %dma_start3A_14 = arith.constant 0 : i32
      %dma_start3A_15 = tpu.memref_slice %arg11[%mul3A_0, %dma_start3A_14] : memref<10112x128xf32, #tpu.memory_space<vmem_shared>> -> memref<632x128xf32, #tpu.memory_space<vmem_shared>>
      tpu.enqueue_dma source(%dma_start3A_15 : memref<632x128xf32, #tpu.memory_space<vmem_shared>>) target(%dma_start3A_13 : memref<632x128xf32, #tpu.memory_space<hbm>>) target_semaphore(%run_scoped3A : memref<!tpu.dma_semaphore, #tpu.memory_space<semaphore_mem>>)
      %dma_wait3A = arith.constant 0 : i32
      %dma_wait3A_16 = arith.constant 0 : i32
      %dma_wait3A_17 = tpu.memref_slice %arg7[%arg0, %dma_wait3A, %dma_wait3A_16] : memref<2x10112x128xf32, #tpu.memory_space<hbm>> -> memref<1x10112x128xf32, #tpu.memory_space<hbm>>
      %dma_wait3A_18 = tpu.memref_squeeze %dma_wait3A_17 : memref<1x10112x128xf32, #tpu.memory_space<hbm>> -> memref<10112x128xf32, #tpu.memory_space<hbm>>
      %dma_wait3A_19 = arith.constant 0 : i32
      %dma_wait3A_20 = tpu.memref_slice %dma_wait3A_18[%mul3A_0, %dma_wait3A_19] : memref<10112x128xf32, #tpu.memory_space<hbm>> -> memref<632x128xf32, #tpu.memory_space<hbm>>
      %dma_wait3A_21 = arith.constant 0 : i32
      %dma_wait3A_22 = tpu.memref_slice %arg11[%mul3A_0, %dma_wait3A_21] : memref<10112x128xf32, #tpu.memory_space<vmem_shared>> -> memref<632x128xf32, #tpu.memory_space<vmem_shared>>
      tpu.wait_dma2 semaphore(%run_scoped3A : memref<!tpu.dma_semaphore, #tpu.memory_space<semaphore_mem>>) src(%dma_wait3A_22 : memref<632x128xf32, #tpu.memory_space<vmem_shared>>) dst(%dma_wait3A_20 : memref<632x128xf32, #tpu.memory_space<hbm>>)
      tpu.yield
    }) : () -> ()
    return
  }
}

module attributes {stable_mosaic.version = 14 : i64} {
  func.func @_ta_body(%arg0: i32, %arg1: memref<2x1000x128xf32, #tpu.memory_space<vmem>>, %arg2: memref<1000x128xf32, #tpu.memory_space<vmem>>, %arg3: memref<128x256xf32, #tpu.memory_space<vmem>>, %arg4: memref<128x256xf32, #tpu.memory_space<vmem>>, %arg5: memref<1x256xf32, #tpu.memory_space<vmem>>, %arg6: memref<2x1000x128xf32, #tpu.memory_space<vmem>>, %arg7: memref<1000x1xf32, #tpu.memory_space<vmem>>) attributes {dimension_semantics = [#tpu.dimension_semantics<arbitrary>], iteration_bounds = array<i64: 10>, scalar_prefetch = 0 : i64, scratch_operands = 0 : i64, tpu.core_type = #tpu.core_type<tc>, window_params = [{transform_indices = @transform_0, window_bounds = array<i64: 2, 1000, 128>}, {transform_indices = @transform_1, window_bounds = array<i64: 1000, 128>}, {pipeline_mode = #tpu.pipeline_mode<synchronous>, transform_indices = @transform_2, window_bounds = array<i64: 128, 256>}, {pipeline_mode = #tpu.pipeline_mode<synchronous>, transform_indices = @transform_3, window_bounds = array<i64: 128, 256>}, {pipeline_mode = #tpu.pipeline_mode<synchronous>, transform_indices = @transform_4, window_bounds = array<i64: 1, 256>}, {transform_indices = @transform_5, window_bounds = array<i64: 2, 1000, 128>}, {transform_indices = @transform_6, window_bounds = array<i64: 1000, 1>}]} {
    %get3A = arith.constant 1 : index
    %get3A_0 = arith.constant 0 : index
    %get3A_1 = arith.constant 0 : index
    %get3A_2 = vector.load %arg1[%get3A, %get3A_0, %get3A_1] : memref<2x1000x128xf32, #tpu.memory_space<vmem>>, vector<1x1000x128xf32>
    %get3A_3 = vector.shape_cast %get3A_2 : vector<1x1000x128xf32> to vector<1000x128xf32>
    %slice3A = vector.extract_strided_slice %get3A_3 {offsets = [0, 0], sizes = [1000, 1], strides = [1, 1]} : vector<1000x128xf32> to vector<1000x1xf32>
    %max3A = arith.constant 1.000000e+00 : f32
    %max3A_4 = vector.broadcast %max3A : f32 to vector<1000x1xf32>
    %max3A_5 = arith.maximumf %slice3A, %max3A_4 : vector<1000x1xf32>
    %div3A = arith.constant 1.000000e+00 : f32
    %div3A_6 = vector.broadcast %div3A : f32 to vector<1000x1xf32>
    %div3A_7 = arith.divf %div3A_6, %max3A_5 : vector<1000x1xf32>
    %get3A_8 = arith.constant 0 : index
    %get3A_9 = arith.constant 0 : index
    %get3A_10 = arith.constant 0 : index
    %get3A_11 = vector.load %arg1[%get3A_8, %get3A_9, %get3A_10] : memref<2x1000x128xf32, #tpu.memory_space<vmem>>, vector<1x1000x128xf32>
    %get3A_12 = vector.shape_cast %get3A_11 : vector<1x1000x128xf32> to vector<1000x128xf32>
    %mul3A = vector.broadcast %div3A_7 : vector<1000x1xf32> to vector<1000x128xf32>
    %mul3A_13 = arith.mulf %get3A_12, %mul3A : vector<1000x128xf32>
    %get3A_14 = arith.constant 0 : index
    %get3A_15 = arith.constant 0 : index
    %get3A_16 = vector.load %arg3[%get3A_14, %get3A_15] : memref<128x256xf32, #tpu.memory_space<vmem>>, vector<128x256xf32>
    %dot_general3A = arith.constant dense<0.000000e+00> : vector<1000x256xf32>
    %dot_general3A_17 = tpu.matmul %mul3A_13, %get3A_16, %dot_general3A {dimension_numbers = #tpu.dot_dimension_numbers<[1], [0], [0], [1], [0, 0, 1, 1], [], []>, transpose_lhs_hint = false} : vector<1000x128xf32>, vector<128x256xf32>, vector<1000x256xf32> -> vector<1000x256xf32>
    %get3A_18 = arith.constant 0 : index
    %get3A_19 = arith.constant 0 : index
    %get3A_20 = vector.load %arg5[%get3A_18, %get3A_19] : memref<1x256xf32, #tpu.memory_space<vmem>>, vector<1x256xf32>
    %add3A = vector.broadcast %get3A_20 : vector<1x256xf32> to vector<1000x256xf32>
    %add3A_21 = arith.addf %dot_general3A_17, %add3A : vector<1000x256xf32>
    %get3A_22 = arith.constant 0 : index
    %get3A_23 = arith.constant 0 : index
    %get3A_24 = vector.load %arg2[%get3A_22, %get3A_23] : memref<1000x128xf32, #tpu.memory_space<vmem>>, vector<1000x128xf32>
    %get3A_25 = arith.constant 0 : index
    %get3A_26 = arith.constant 0 : index
    %get3A_27 = vector.load %arg4[%get3A_25, %get3A_26] : memref<128x256xf32, #tpu.memory_space<vmem>>, vector<128x256xf32>
    %dot_general3A_28 = arith.constant dense<0.000000e+00> : vector<1000x256xf32>
    %dot_general3A_29 = tpu.matmul %get3A_24, %get3A_27, %dot_general3A_28 {dimension_numbers = #tpu.dot_dimension_numbers<[1], [0], [0], [1], [0, 0, 1, 1], [], []>, transpose_lhs_hint = false} : vector<1000x128xf32>, vector<128x256xf32>, vector<1000x256xf32> -> vector<1000x256xf32>
    %add3A_30 = arith.addf %add3A_21, %dot_general3A_29 : vector<1000x256xf32>
    %max3A_31 = arith.constant 0.000000e+00 : f32
    %max3A_32 = vector.broadcast %max3A_31 : f32 to vector<1000x256xf32>
    %max3A_33 = arith.maximumf %add3A_30, %max3A_32 : vector<1000x256xf32>
    %slice3A_34 = vector.extract_strided_slice %max3A_33 {offsets = [0, 0], sizes = [1000, 128], strides = [1, 1]} : vector<1000x256xf32> to vector<1000x128xf32>
    %swap3A = arith.constant 0 : index
    %swap3A_35 = arith.constant 0 : index
    %swap3A_36 = arith.constant 0 : index
    %swap3A_37 = vector.load %arg6[%swap3A, %swap3A_35, %swap3A_36] : memref<2x1000x128xf32, #tpu.memory_space<vmem>>, vector<1x1000x128xf32>
    %swap3A_38 = vector.shape_cast %swap3A_37 : vector<1x1000x128xf32> to vector<1000x128xf32>
    %swap3A_39 = vector.shape_cast %slice3A_34 : vector<1000x128xf32> to vector<1x1000x128xf32>
    tpu.vector_store %arg6[%swap3A, %swap3A_35, %swap3A_36], %swap3A_39 {strides = array<i32>} : memref<2x1000x128xf32, #tpu.memory_space<vmem>>, vector<1x1000x128xf32>,
    %slice3A_40 = vector.extract_strided_slice %max3A_33 {offsets = [0, 128], sizes = [1000, 128], strides = [1, 1]} : vector<1000x256xf32> to vector<1000x128xf32>
    %swap3A_41 = arith.constant 1 : index
    %swap3A_42 = arith.constant 0 : index
    %swap3A_43 = arith.constant 0 : index
    %swap3A_44 = vector.load %arg6[%swap3A_41, %swap3A_42, %swap3A_43] : memref<2x1000x128xf32, #tpu.memory_space<vmem>>, vector<1x1000x128xf32>
    %swap3A_45 = vector.shape_cast %swap3A_44 : vector<1x1000x128xf32> to vector<1000x128xf32>
    %swap3A_46 = vector.shape_cast %slice3A_40 : vector<1000x128xf32> to vector<1x1000x128xf32>
    tpu.vector_store %arg6[%swap3A_41, %swap3A_42, %swap3A_43], %swap3A_46 {strides = array<i32>} : memref<2x1000x128xf32, #tpu.memory_space<vmem>>, vector<1x1000x128xf32>,
    %swap3A_47 = arith.constant 0 : index
    %swap3A_48 = arith.constant 0 : index
    %swap3A_49 = vector.load %arg7[%swap3A_47, %swap3A_48] : memref<1000x1xf32, #tpu.memory_space<vmem>>, vector<1000x1xf32>
    tpu.vector_store %arg7[%swap3A_47, %swap3A_48], %div3A_7 {strides = array<i32>} : memref<1000x1xf32, #tpu.memory_space<vmem>>, vector<1000x1xf32>,
    return
  }
  func.func @transform_0(%arg0: i32) -> (i32, i32, i32) {
    %c0_i32 = arith.constant 0 : i32
    %c0_i32_0 = arith.constant 0 : i32
    %c0_i32_1 = arith.constant 0 : i32
    return %c0_i32, %arg0, %c0_i32_0 : i32, i32, i32
  }
  func.func @transform_1(%arg0: i32) -> (i32, i32) {
    %c0_i32 = arith.constant 0 : i32
    %c0_i32_0 = arith.constant 0 : i32
    return %arg0, %c0_i32 : i32, i32
  }
  func.func @transform_2(%arg0: i32) -> (i32, i32) {
    %c0_i32 = arith.constant 0 : i32
    %c0_i32_0 = arith.constant 0 : i32
    %c0_i32_1 = arith.constant 0 : i32
    return %c0_i32, %c0_i32_0 : i32, i32
  }
  func.func @transform_3(%arg0: i32) -> (i32, i32) {
    %c0_i32 = arith.constant 0 : i32
    %c0_i32_0 = arith.constant 0 : i32
    %c0_i32_1 = arith.constant 0 : i32
    return %c0_i32, %c0_i32_0 : i32, i32
  }
  func.func @transform_4(%arg0: i32) -> (i32, i32) {
    %c0_i32 = arith.constant 0 : i32
    %c0_i32_0 = arith.constant 0 : i32
    %c0_i32_1 = arith.constant 0 : i32
    return %c0_i32, %c0_i32_0 : i32, i32
  }
  func.func @transform_5(%arg0: i32) -> (i32, i32, i32) {
    %c0_i32 = arith.constant 0 : i32
    %c0_i32_0 = arith.constant 0 : i32
    %c0_i32_1 = arith.constant 0 : i32
    return %c0_i32, %arg0, %c0_i32_0 : i32, i32, i32
  }
  func.func @transform_6(%arg0: i32) -> (i32, i32) {
    %c0_i32 = arith.constant 0 : i32
    %c0_i32_0 = arith.constant 0 : i32
    return %arg0, %c0_i32 : i32, i32
  }
}

module attributes {stable_mosaic.version = 14 : i64} {
  func.func @_tb_body(%arg0: i32, %arg1: memref<2x1000x128xf32, #tpu.memory_space<vmem>>, %arg2: memref<2x1000x128xf32, #tpu.memory_space<vmem>>, %arg3: memref<1000x1xf32, #tpu.memory_space<vmem>>, %arg4: memref<256x256xf32, #tpu.memory_space<vmem>>, %arg5: memref<256x256xf32, #tpu.memory_space<vmem>>, %arg6: memref<1x256xf32, #tpu.memory_space<vmem>>, %arg7: memref<256x128xf32, #tpu.memory_space<vmem>>, %arg8: memref<1000x256xf32, #tpu.memory_space<vmem>>, %arg9: memref<1000x128xf32, #tpu.memory_space<vmem>>) attributes {dimension_semantics = [#tpu.dimension_semantics<arbitrary>], iteration_bounds = array<i64: 10>, scalar_prefetch = 0 : i64, scratch_operands = 0 : i64, tpu.core_type = #tpu.core_type<tc>, window_params = [{transform_indices = @transform_0, window_bounds = array<i64: 2, 1000, 128>}, {transform_indices = @transform_1, window_bounds = array<i64: 2, 1000, 128>}, {transform_indices = @transform_2, window_bounds = array<i64: 1000, 1>}, {pipeline_mode = #tpu.pipeline_mode<synchronous>, transform_indices = @transform_3, window_bounds = array<i64: 256, 256>}, {pipeline_mode = #tpu.pipeline_mode<synchronous>, transform_indices = @transform_4, window_bounds = array<i64: 256, 256>}, {pipeline_mode = #tpu.pipeline_mode<synchronous>, transform_indices = @transform_5, window_bounds = array<i64: 1, 256>}, {pipeline_mode = #tpu.pipeline_mode<synchronous>, transform_indices = @transform_6, window_bounds = array<i64: 256, 128>}, {transform_indices = @transform_7, window_bounds = array<i64: 1000, 256>}, {transform_indices = @transform_8, window_bounds = array<i64: 1000, 128>}]} {
    %get3A = arith.constant 0 : index
    %get3A_0 = arith.constant 0 : index
    %get3A_1 = vector.load %arg3[%get3A, %get3A_0] : memref<1000x1xf32, #tpu.memory_space<vmem>>, vector<1000x1xf32>
    %get3A_2 = arith.constant 0 : index
    %get3A_3 = arith.constant 0 : index
    %get3A_4 = arith.constant 0 : index
    %get3A_5 = vector.load %arg1[%get3A_2, %get3A_3, %get3A_4] : memref<2x1000x128xf32, #tpu.memory_space<vmem>>, vector<1x1000x128xf32>
    %get3A_6 = vector.shape_cast %get3A_5 : vector<1x1000x128xf32> to vector<1000x128xf32>
    %get3A_7 = arith.constant 1 : index
    %get3A_8 = arith.constant 0 : index
    %get3A_9 = arith.constant 0 : index
    %get3A_10 = vector.load %arg1[%get3A_7, %get3A_8, %get3A_9] : memref<2x1000x128xf32, #tpu.memory_space<vmem>>, vector<1x1000x128xf32>
    %get3A_11 = vector.shape_cast %get3A_10 : vector<1x1000x128xf32> to vector<1000x128xf32>
    %concatenate3A = tpu.concatenate %get3A_6, %get3A_11 in 1 : vector<1000x128xf32>, vector<1000x128xf32> -> vector<1000x256xf32>
    %mul3A = vector.broadcast %get3A_1 : vector<1000x1xf32> to vector<1000x256xf32>
    %mul3A_12 = arith.mulf %concatenate3A, %mul3A : vector<1000x256xf32>
    %get3A_13 = arith.constant 0 : index
    %get3A_14 = arith.constant 0 : index
    %get3A_15 = arith.constant 0 : index
    %get3A_16 = vector.load %arg2[%get3A_13, %get3A_14, %get3A_15] : memref<2x1000x128xf32, #tpu.memory_space<vmem>>, vector<1x1000x128xf32>
    %get3A_17 = vector.shape_cast %get3A_16 : vector<1x1000x128xf32> to vector<1000x128xf32>
    %get3A_18 = arith.constant 1 : index
    %get3A_19 = arith.constant 0 : index
    %get3A_20 = arith.constant 0 : index
    %get3A_21 = vector.load %arg2[%get3A_18, %get3A_19, %get3A_20] : memref<2x1000x128xf32, #tpu.memory_space<vmem>>, vector<1x1000x128xf32>
    %get3A_22 = vector.shape_cast %get3A_21 : vector<1x1000x128xf32> to vector<1000x128xf32>
    %concatenate3A_23 = tpu.concatenate %get3A_17, %get3A_22 in 1 : vector<1000x128xf32>, vector<1000x128xf32> -> vector<1000x256xf32>
    %get3A_24 = arith.constant 0 : index
    %get3A_25 = arith.constant 0 : index
    %get3A_26 = vector.load %arg4[%get3A_24, %get3A_25] : memref<256x256xf32, #tpu.memory_space<vmem>>, vector<256x256xf32>
    %dot_general3A = arith.constant dense<0.000000e+00> : vector<1000x256xf32>
    %dot_general3A_27 = tpu.matmul %mul3A_12, %get3A_26, %dot_general3A {dimension_numbers = #tpu.dot_dimension_numbers<[1], [0], [0], [1], [0, 0, 1, 1], [], []>, transpose_lhs_hint = false} : vector<1000x256xf32>, vector<256x256xf32>, vector<1000x256xf32> -> vector<1000x256xf32>
    %get3A_28 = arith.constant 0 : index
    %get3A_29 = arith.constant 0 : index
    %get3A_30 = vector.load %arg6[%get3A_28, %get3A_29] : memref<1x256xf32, #tpu.memory_space<vmem>>, vector<1x256xf32>
    %add3A = vector.broadcast %get3A_30 : vector<1x256xf32> to vector<1000x256xf32>
    %add3A_31 = arith.addf %dot_general3A_27, %add3A : vector<1000x256xf32>
    %get3A_32 = arith.constant 0 : index
    %get3A_33 = arith.constant 0 : index
    %get3A_34 = vector.load %arg5[%get3A_32, %get3A_33] : memref<256x256xf32, #tpu.memory_space<vmem>>, vector<256x256xf32>
    %dot_general3A_35 = arith.constant dense<0.000000e+00> : vector<1000x256xf32>
    %dot_general3A_36 = tpu.matmul %concatenate3A_23, %get3A_34, %dot_general3A_35 {dimension_numbers = #tpu.dot_dimension_numbers<[1], [0], [0], [1], [0, 0, 1, 1], [], []>, transpose_lhs_hint = false} : vector<1000x256xf32>, vector<256x256xf32>, vector<1000x256xf32> -> vector<1000x256xf32>
    %add3A_37 = arith.addf %add3A_31, %dot_general3A_36 : vector<1000x256xf32>
    %max3A = arith.constant 0.000000e+00 : f32
    %max3A_38 = vector.broadcast %max3A : f32 to vector<1000x256xf32>
    %max3A_39 = arith.maximumf %add3A_37, %max3A_38 : vector<1000x256xf32>
    %swap3A = arith.constant 0 : index
    %swap3A_40 = arith.constant 0 : index
    %swap3A_41 = vector.load %arg8[%swap3A, %swap3A_40] : memref<1000x256xf32, #tpu.memory_space<vmem>>, vector<1000x256xf32>
    tpu.vector_store %arg8[%swap3A, %swap3A_40], %max3A_39 {strides = array<i32>} : memref<1000x256xf32, #tpu.memory_space<vmem>>, vector<1000x256xf32>,
    %get3A_42 = arith.constant 0 : index
    %get3A_43 = arith.constant 0 : index
    %get3A_44 = vector.load %arg7[%get3A_42, %get3A_43] : memref<256x128xf32, #tpu.memory_space<vmem>>, vector<256x128xf32>
    %dot_general3A_45 = arith.constant dense<0.000000e+00> : vector<1000x128xf32>
    %dot_general3A_46 = tpu.matmul %max3A_39, %get3A_44, %dot_general3A_45 {dimension_numbers = #tpu.dot_dimension_numbers<[1], [0], [0], [1], [0, 0, 1, 1], [], []>, transpose_lhs_hint = false} : vector<1000x256xf32>, vector<256x128xf32>, vector<1000x128xf32> -> vector<1000x128xf32>
    %swap3A_47 = arith.constant 0 : index
    %swap3A_48 = arith.constant 0 : index
    %swap3A_49 = vector.load %arg9[%swap3A_47, %swap3A_48] : memref<1000x128xf32, #tpu.memory_space<vmem>>, vector<1000x128xf32>
    tpu.vector_store %arg9[%swap3A_47, %swap3A_48], %dot_general3A_46 {strides = array<i32>} : memref<1000x128xf32, #tpu.memory_space<vmem>>, vector<1000x128xf32>,
    return
  }
  func.func @transform_0(%arg0: i32) -> (i32, i32, i32) {
    %c0_i32 = arith.constant 0 : i32
    %c0_i32_0 = arith.constant 0 : i32
    %c0_i32_1 = arith.constant 0 : i32
    return %c0_i32, %arg0, %c0_i32_0 : i32, i32, i32
  }
  func.func @transform_1(%arg0: i32) -> (i32, i32, i32) {
    %c0_i32 = arith.constant 0 : i32
    %c0_i32_0 = arith.constant 0 : i32
    %c0_i32_1 = arith.constant 0 : i32
    return %c0_i32, %arg0, %c0_i32_0 : i32, i32, i32
  }
  func.func @transform_2(%arg0: i32) -> (i32, i32) {
    %c0_i32 = arith.constant 0 : i32
    %c0_i32_0 = arith.constant 0 : i32
    return %arg0, %c0_i32 : i32, i32
  }
  func.func @transform_3(%arg0: i32) -> (i32, i32) {
    %c0_i32 = arith.constant 0 : i32
    %c0_i32_0 = arith.constant 0 : i32
    %c0_i32_1 = arith.constant 0 : i32
    return %c0_i32, %c0_i32_0 : i32, i32
  }
  func.func @transform_4(%arg0: i32) -> (i32, i32) {
    %c0_i32 = arith.constant 0 : i32
    %c0_i32_0 = arith.constant 0 : i32
    %c0_i32_1 = arith.constant 0 : i32
    return %c0_i32, %c0_i32_0 : i32, i32
  }
  func.func @transform_5(%arg0: i32) -> (i32, i32) {
    %c0_i32 = arith.constant 0 : i32
    %c0_i32_0 = arith.constant 0 : i32
    %c0_i32_1 = arith.constant 0 : i32
    return %c0_i32, %c0_i32_0 : i32, i32
  }
  func.func @transform_6(%arg0: i32) -> (i32, i32) {
    %c0_i32 = arith.constant 0 : i32
    %c0_i32_0 = arith.constant 0 : i32
    %c0_i32_1 = arith.constant 0 : i32
    return %c0_i32, %c0_i32_0 : i32, i32
  }
  func.func @transform_7(%arg0: i32) -> (i32, i32) {
    %c0_i32 = arith.constant 0 : i32
    %c0_i32_0 = arith.constant 0 : i32
    return %arg0, %c0_i32 : i32, i32
  }
  func.func @transform_8(%arg0: i32) -> (i32, i32) {
    %c0_i32 = arith.constant 0 : i32
    %c0_i32_0 = arith.constant 0 : i32
    return %arg0, %c0_i32 : i32, i32
  }
}

module attributes {stable_mosaic.version = 14 : i64} {
  func.func @_text_body(%arg0: i32, %arg1: memref<1000x256xf32, #tpu.memory_space<vmem>>, %arg2: memref<256x256xf32, #tpu.memory_space<vmem>>, %arg3: memref<1x256xf32, #tpu.memory_space<vmem>>, %arg4: memref<256x128xf32, #tpu.memory_space<vmem>>, %arg5: memref<1x128xf32, #tpu.memory_space<vmem>>, %arg6: memref<1000x128xf32, #tpu.memory_space<vmem>>) attributes {dimension_semantics = [#tpu.dimension_semantics<arbitrary>], iteration_bounds = array<i64: 10>, scalar_prefetch = 0 : i64, scratch_operands = 0 : i64, tpu.core_type = #tpu.core_type<tc>, window_params = [{transform_indices = @transform_0, window_bounds = array<i64: 1000, 256>}, {pipeline_mode = #tpu.pipeline_mode<synchronous>, transform_indices = @transform_1, window_bounds = array<i64: 256, 256>}, {pipeline_mode = #tpu.pipeline_mode<synchronous>, transform_indices = @transform_2, window_bounds = array<i64: 1, 256>}, {pipeline_mode = #tpu.pipeline_mode<synchronous>, transform_indices = @transform_3, window_bounds = array<i64: 256, 128>}, {pipeline_mode = #tpu.pipeline_mode<synchronous>, transform_indices = @transform_4, window_bounds = array<i64: 1, 128>}, {transform_indices = @transform_5, window_bounds = array<i64: 1000, 128>}]} {
    %get3A = arith.constant 0 : index
    %get3A_0 = arith.constant 0 : index
    %get3A_1 = vector.load %arg1[%get3A, %get3A_0] : memref<1000x256xf32, #tpu.memory_space<vmem>>, vector<1000x256xf32>
    %get3A_2 = arith.constant 0 : index
    %get3A_3 = arith.constant 0 : index
    %get3A_4 = vector.load %arg2[%get3A_2, %get3A_3] : memref<256x256xf32, #tpu.memory_space<vmem>>, vector<256x256xf32>
    %dot_general3A = arith.constant dense<0.000000e+00> : vector<1000x256xf32>
    %dot_general3A_5 = tpu.matmul %get3A_1, %get3A_4, %dot_general3A {dimension_numbers = #tpu.dot_dimension_numbers<[1], [0], [0], [1], [0, 0, 1, 1], [], []>, transpose_lhs_hint = false} : vector<1000x256xf32>, vector<256x256xf32>, vector<1000x256xf32> -> vector<1000x256xf32>
    %get3A_6 = arith.constant 0 : index
    %get3A_7 = arith.constant 0 : index
    %get3A_8 = vector.load %arg3[%get3A_6, %get3A_7] : memref<1x256xf32, #tpu.memory_space<vmem>>, vector<1x256xf32>
    %add3A = vector.broadcast %get3A_8 : vector<1x256xf32> to vector<1000x256xf32>
    %add3A_9 = arith.addf %dot_general3A_5, %add3A : vector<1000x256xf32>
    %max3A = arith.constant 0.000000e+00 : f32
    %max3A_10 = vector.broadcast %max3A : f32 to vector<1000x256xf32>
    %max3A_11 = arith.maximumf %add3A_9, %max3A_10 : vector<1000x256xf32>
    %get3A_12 = arith.constant 0 : index
    %get3A_13 = arith.constant 0 : index
    %get3A_14 = vector.load %arg4[%get3A_12, %get3A_13] : memref<256x128xf32, #tpu.memory_space<vmem>>, vector<256x128xf32>
    %dot_general3A_15 = arith.constant dense<0.000000e+00> : vector<1000x128xf32>
    %dot_general3A_16 = tpu.matmul %max3A_11, %get3A_14, %dot_general3A_15 {dimension_numbers = #tpu.dot_dimension_numbers<[1], [0], [0], [1], [0, 0, 1, 1], [], []>, transpose_lhs_hint = false} : vector<1000x256xf32>, vector<256x128xf32>, vector<1000x128xf32> -> vector<1000x128xf32>
    %get3A_17 = arith.constant 0 : index
    %get3A_18 = arith.constant 0 : index
    %get3A_19 = vector.load %arg5[%get3A_17, %get3A_18] : memref<1x128xf32, #tpu.memory_space<vmem>>, vector<1x128xf32>
    %add3A_20 = vector.broadcast %get3A_19 : vector<1x128xf32> to vector<1000x128xf32>
    %add3A_21 = arith.addf %dot_general3A_16, %add3A_20 : vector<1000x128xf32>
    %swap3A = arith.constant 0 : index
    %swap3A_22 = arith.constant 0 : index
    %swap3A_23 = vector.load %arg6[%swap3A, %swap3A_22] : memref<1000x128xf32, #tpu.memory_space<vmem>>, vector<1000x128xf32>
    tpu.vector_store %arg6[%swap3A, %swap3A_22], %add3A_21 {strides = array<i32>} : memref<1000x128xf32, #tpu.memory_space<vmem>>, vector<1000x128xf32>,
    return
  }
  func.func @transform_0(%arg0: i32) -> (i32, i32) {
    %c0_i32 = arith.constant 0 : i32
    %c0_i32_0 = arith.constant 0 : i32
    return %arg0, %c0_i32 : i32, i32
  }
  func.func @transform_1(%arg0: i32) -> (i32, i32) {
    %c0_i32 = arith.constant 0 : i32
    %c0_i32_0 = arith.constant 0 : i32
    %c0_i32_1 = arith.constant 0 : i32
    return %c0_i32, %c0_i32_0 : i32, i32
  }
  func.func @transform_2(%arg0: i32) -> (i32, i32) {
    %c0_i32 = arith.constant 0 : i32
    %c0_i32_0 = arith.constant 0 : i32
    %c0_i32_1 = arith.constant 0 : i32
    return %c0_i32, %c0_i32_0 : i32, i32
  }
  func.func @transform_3(%arg0: i32) -> (i32, i32) {
    %c0_i32 = arith.constant 0 : i32
    %c0_i32_0 = arith.constant 0 : i32
    %c0_i32_1 = arith.constant 0 : i32
    return %c0_i32, %c0_i32_0 : i32, i32
  }
  func.func @transform_4(%arg0: i32) -> (i32, i32) {
    %c0_i32 = arith.constant 0 : i32
    %c0_i32_0 = arith.constant 0 : i32
    %c0_i32_1 = arith.constant 0 : i32
    return %c0_i32, %c0_i32_0 : i32, i32
  }
  func.func @transform_5(%arg0: i32) -> (i32, i32) {
    %c0_i32 = arith.constant 0 : i32
    %c0_i32_0 = arith.constant 0 : i32
    return %arg0, %c0_i32 : i32, i32
  }
}

module attributes {stable_mosaic.version = 14 : i64} {
  func.func @_tc_body(%arg0: i32, %arg1: memref<2x1000x128xf32, #tpu.memory_space<vmem>>, %arg2: memref<1000x256xf32, #tpu.memory_space<vmem>>, %arg3: memref<1000x128xf32, #tpu.memory_space<vmem>>, %arg4: memref<1000x1xf32, #tpu.memory_space<vmem>>, %arg5: memref<256x128xf32, #tpu.memory_space<vmem>>, %arg6: memref<1x128xf32, #tpu.memory_space<vmem>>, %arg7: memref<128x256xf32, #tpu.memory_space<vmem>>, %arg8: memref<128x256xf32, #tpu.memory_space<vmem>>, %arg9: memref<1x256xf32, #tpu.memory_space<vmem>>, %arg10: memref<1000x128xf32, #tpu.memory_space<vmem>>, %arg11: memref<1000x256xf32, #tpu.memory_space<vmem>>) attributes {dimension_semantics = [#tpu.dimension_semantics<arbitrary>], iteration_bounds = array<i64: 10>, scalar_prefetch = 0 : i64, scratch_operands = 0 : i64, tpu.core_type = #tpu.core_type<tc>, window_params = [{transform_indices = @transform_0, window_bounds = array<i64: 2, 1000, 128>}, {transform_indices = @transform_1, window_bounds = array<i64: 1000, 256>}, {transform_indices = @transform_2, window_bounds = array<i64: 1000, 128>}, {transform_indices = @transform_3, window_bounds = array<i64: 1000, 1>}, {pipeline_mode = #tpu.pipeline_mode<synchronous>, transform_indices = @transform_4, window_bounds = array<i64: 256, 128>}, {pipeline_mode = #tpu.pipeline_mode<synchronous>, transform_indices = @transform_5, window_bounds = array<i64: 1, 128>}, {pipeline_mode = #tpu.pipeline_mode<synchronous>, transform_indices = @transform_6, window_bounds = array<i64: 128, 256>}, {pipeline_mode = #tpu.pipeline_mode<synchronous>, transform_indices = @transform_7, window_bounds = array<i64: 128, 256>}, {pipeline_mode = #tpu.pipeline_mode<synchronous>, transform_indices = @transform_8, window_bounds = array<i64: 1, 256>}, {transform_indices = @transform_9, window_bounds = array<i64: 1000, 128>}, {transform_indices = @transform_10, window_bounds = array<i64: 1000, 256>}]} {
    %get3A = arith.constant 0 : index
    %get3A_0 = arith.constant 0 : index
    %get3A_1 = arith.constant 0 : index
    %get3A_2 = vector.load %arg1[%get3A, %get3A_0, %get3A_1] : memref<2x1000x128xf32, #tpu.memory_space<vmem>>, vector<1x1000x128xf32>
    %get3A_3 = vector.shape_cast %get3A_2 : vector<1x1000x128xf32> to vector<1000x128xf32>
    %get3A_4 = arith.constant 1 : index
    %get3A_5 = arith.constant 0 : index
    %get3A_6 = arith.constant 0 : index
    %get3A_7 = vector.load %arg1[%get3A_4, %get3A_5, %get3A_6] : memref<2x1000x128xf32, #tpu.memory_space<vmem>>, vector<1x1000x128xf32>
    %get3A_8 = vector.shape_cast %get3A_7 : vector<1x1000x128xf32> to vector<1000x128xf32>
    %add3A = arith.addf %get3A_3, %get3A_8 : vector<1000x128xf32>
    %get3A_9 = arith.constant 0 : index
    %get3A_10 = arith.constant 0 : index
    %get3A_11 = vector.load %arg4[%get3A_9, %get3A_10] : memref<1000x1xf32, #tpu.memory_space<vmem>>, vector<1000x1xf32>
    %mul3A = vector.broadcast %get3A_11 : vector<1000x1xf32> to vector<1000x128xf32>
    %mul3A_12 = arith.mulf %add3A, %mul3A : vector<1000x128xf32>
    %get3A_13 = arith.constant 0 : index
    %get3A_14 = arith.constant 0 : index
    %get3A_15 = vector.load %arg6[%get3A_13, %get3A_14] : memref<1x128xf32, #tpu.memory_space<vmem>>, vector<1x128xf32>
    %add3A_16 = vector.broadcast %get3A_15 : vector<1x128xf32> to vector<1000x128xf32>
    %add3A_17 = arith.addf %mul3A_12, %add3A_16 : vector<1000x128xf32>
    %get3A_18 = arith.constant 0 : index
    %get3A_19 = arith.constant 0 : index
    %get3A_20 = vector.load %arg2[%get3A_18, %get3A_19] : memref<1000x256xf32, #tpu.memory_space<vmem>>, vector<1000x256xf32>
    %get3A_21 = arith.constant 0 : index
    %get3A_22 = arith.constant 0 : index
    %get3A_23 = vector.load %arg5[%get3A_21, %get3A_22] : memref<256x128xf32, #tpu.memory_space<vmem>>, vector<256x128xf32>
    %dot_general3A = arith.constant dense<0.000000e+00> : vector<1000x128xf32>
    %dot_general3A_24 = tpu.matmul %get3A_20, %get3A_23, %dot_general3A {dimension_numbers = #tpu.dot_dimension_numbers<[1], [0], [0], [1], [0, 0, 1, 1], [], []>, transpose_lhs_hint = false} : vector<1000x256xf32>, vector<256x128xf32>, vector<1000x128xf32> -> vector<1000x128xf32>
    %add3A_25 = arith.addf %add3A_17, %dot_general3A_24 : vector<1000x128xf32>
    %max3A = arith.constant 0.000000e+00 : f32
    %max3A_26 = vector.broadcast %max3A : f32 to vector<1000x128xf32>
    %max3A_27 = arith.maximumf %add3A_25, %max3A_26 : vector<1000x128xf32>
    %swap3A = arith.constant 0 : index
    %swap3A_28 = arith.constant 0 : index
    %swap3A_29 = vector.load %arg10[%swap3A, %swap3A_28] : memref<1000x128xf32, #tpu.memory_space<vmem>>, vector<1000x128xf32>
    tpu.vector_store %arg10[%swap3A, %swap3A_28], %max3A_27 {strides = array<i32>} : memref<1000x128xf32, #tpu.memory_space<vmem>>, vector<1000x128xf32>,
    %get3A_30 = arith.constant 0 : index
    %get3A_31 = arith.constant 0 : index
    %get3A_32 = vector.load %arg7[%get3A_30, %get3A_31] : memref<128x256xf32, #tpu.memory_space<vmem>>, vector<128x256xf32>
    %dot_general3A_33 = arith.constant dense<0.000000e+00> : vector<1000x256xf32>
    %dot_general3A_34 = tpu.matmul %max3A_27, %get3A_32, %dot_general3A_33 {dimension_numbers = #tpu.dot_dimension_numbers<[1], [0], [0], [1], [0, 0, 1, 1], [], []>, transpose_lhs_hint = false} : vector<1000x128xf32>, vector<128x256xf32>, vector<1000x256xf32> -> vector<1000x256xf32>
    %get3A_35 = arith.constant 0 : index
    %get3A_36 = arith.constant 0 : index
    %get3A_37 = vector.load %arg3[%get3A_35, %get3A_36] : memref<1000x128xf32, #tpu.memory_space<vmem>>, vector<1000x128xf32>
    %get3A_38 = arith.constant 0 : index
    %get3A_39 = arith.constant 0 : index
    %get3A_40 = vector.load %arg8[%get3A_38, %get3A_39] : memref<128x256xf32, #tpu.memory_space<vmem>>, vector<128x256xf32>
    %dot_general3A_41 = arith.constant dense<0.000000e+00> : vector<1000x256xf32>
    %dot_general3A_42 = tpu.matmul %get3A_37, %get3A_40, %dot_general3A_41 {dimension_numbers = #tpu.dot_dimension_numbers<[1], [0], [0], [1], [0, 0, 1, 1], [], []>, transpose_lhs_hint = false} : vector<1000x128xf32>, vector<128x256xf32>, vector<1000x256xf32> -> vector<1000x256xf32>
    %add3A_43 = arith.addf %dot_general3A_34, %dot_general3A_42 : vector<1000x256xf32>
    %get3A_44 = arith.constant 0 : index
    %get3A_45 = arith.constant 0 : index
    %get3A_46 = vector.load %arg9[%get3A_44, %get3A_45] : memref<1x256xf32, #tpu.memory_space<vmem>>, vector<1x256xf32>
    %add3A_47 = vector.broadcast %get3A_46 : vector<1x256xf32> to vector<1000x256xf32>
    %add3A_48 = arith.addf %add3A_43, %add3A_47 : vector<1000x256xf32>
    %swap3A_49 = arith.constant 0 : index
    %swap3A_50 = arith.constant 0 : index
    %swap3A_51 = vector.load %arg11[%swap3A_49, %swap3A_50] : memref<1000x256xf32, #tpu.memory_space<vmem>>, vector<1000x256xf32>
    tpu.vector_store %arg11[%swap3A_49, %swap3A_50], %add3A_48 {strides = array<i32>} : memref<1000x256xf32, #tpu.memory_space<vmem>>, vector<1000x256xf32>,
    return
  }
  func.func @transform_0(%arg0: i32) -> (i32, i32, i32) {
    %c0_i32 = arith.constant 0 : i32
    %c0_i32_0 = arith.constant 0 : i32
    %c0_i32_1 = arith.constant 0 : i32
    return %c0_i32, %arg0, %c0_i32_0 : i32, i32, i32
  }
  func.func @transform_1(%arg0: i32) -> (i32, i32) {
    %c0_i32 = arith.constant 0 : i32
    %c0_i32_0 = arith.constant 0 : i32
    return %arg0, %c0_i32 : i32, i32
  }
  func.func @transform_2(%arg0: i32) -> (i32, i32) {
    %c0_i32 = arith.constant 0 : i32
    %c0_i32_0 = arith.constant 0 : i32
    return %arg0, %c0_i32 : i32, i32
  }
  func.func @transform_3(%arg0: i32) -> (i32, i32) {
    %c0_i32 = arith.constant 0 : i32
    %c0_i32_0 = arith.constant 0 : i32
    return %arg0, %c0_i32 : i32, i32
  }
  func.func @transform_4(%arg0: i32) -> (i32, i32) {
    %c0_i32 = arith.constant 0 : i32
    %c0_i32_0 = arith.constant 0 : i32
    %c0_i32_1 = arith.constant 0 : i32
    return %c0_i32, %c0_i32_0 : i32, i32
  }
  func.func @transform_5(%arg0: i32) -> (i32, i32) {
    %c0_i32 = arith.constant 0 : i32
    %c0_i32_0 = arith.constant 0 : i32
    %c0_i32_1 = arith.constant 0 : i32
    return %c0_i32, %c0_i32_0 : i32, i32
  }
  func.func @transform_6(%arg0: i32) -> (i32, i32) {
    %c0_i32 = arith.constant 0 : i32
    %c0_i32_0 = arith.constant 0 : i32
    %c0_i32_1 = arith.constant 0 : i32
    return %c0_i32, %c0_i32_0 : i32, i32
  }
  func.func @transform_7(%arg0: i32) -> (i32, i32) {
    %c0_i32 = arith.constant 0 : i32
    %c0_i32_0 = arith.constant 0 : i32
    %c0_i32_1 = arith.constant 0 : i32
    return %c0_i32, %c0_i32_0 : i32, i32
  }
  func.func @transform_8(%arg0: i32) -> (i32, i32) {
    %c0_i32 = arith.constant 0 : i32
    %c0_i32_0 = arith.constant 0 : i32
    %c0_i32_1 = arith.constant 0 : i32
    return %c0_i32, %c0_i32_0 : i32, i32
  }
  func.func @transform_9(%arg0: i32) -> (i32, i32) {
    %c0_i32 = arith.constant 0 : i32
    %c0_i32_0 = arith.constant 0 : i32
    return %arg0, %c0_i32 : i32, i32
  }
  func.func @transform_10(%arg0: i32) -> (i32, i32) {
    %c0_i32 = arith.constant 0 : i32
    %c0_i32_0 = arith.constant 0 : i32
    return %arg0, %c0_i32 : i32, i32
  }
}

</mosaic_0001>

<sc_bundles>
// kernel: kernel.12.cloned.1.call-start
scs
__scs_entry_jumppad:
0x0: {  	(pc) =	sbr.rel $0x88, $3  }
0x1: {  	(tag) =	ssettag $0x0;
	lr =	simm.s32 $0x1  }
0x2: {  	[smem:$0x3F8F] =	sst lr;
	_ =	strace $0xD0000000  }
0x3: {  	_ = 	snop  }
0x4: {  	_ = 	snop  }
0x5: {  	_ = 	snop  }
0x6: {  	_ = 	snop  }
0x7: {  	_ = 	snop  }
__scs_overlays_trampoline_lowered:
0x8: {  	[smem:$0x3F9E] =	sst s0  }
0x9: {  	[smem:$0x3F9F] =	sst s1  }
0xa: {  	[smem:$0x3FA0] =	sst s2  }
0xb: {  	[smem:$0x3FA1] =	sst s3  }
0xc: {  	[smem:$0x3FA2] =	sst s4  }
0xd: {  	[smem:$0x3FA3] =	sst s5  }
0xe: {  	[smem:$0x3FA4] =	sst s6  }
0xf: {  	[smem:$0x3FA5] =	sst s7  }
0x10: {  	[smem:$0x3FA6] =	sst s8  }
0x11: {  	[smem:$0x3FA7] =	sst s9;
	s0 =	simm.s32 @!p0 $0x0  }
0x12: {  	s1 =	sld [smem:$0x3F8D];
	s0 =	simm.s32 @p0 $0x1  }
0x13: {  	[smem:$0x3FA8] =	sst s0;
	s0 =	simm.s32 @!p1 $0x0  }
0x14: {  	s2 =	sld [smem:$0x3F8C];
	s0 =	simm.s32 @p1 $0x1  }
0x15: {  	[smem:$0x3FA9] =	sst s0;
	s0 =	simm.s32 @!p2 $0x0  }
0x16: {  	s3 =	sld [smem:$0x3FDB];
	s0 =	simm.s32 @p2 $0x1  }
0x17: {  	s4 =	simm.s32 $0x1BF5;
	[smem:$0x3FAB] =	sst s0  }
0x18: {  	s0 =	sld [smem:$0x3F8E];
	_ =	swait.ge [sflag:s4], $0x0  }
0x19: {  	s7 =	sld [smem:$0x3F8F]  }
0x1a: {  	s8 =	sadd.s32 $0xFFFFE003, lr  }
0x1b: {  	s9 =	sadd.s32 $0xFFFFFEF7, lr;
	s5 =	simm.s32 $0xFFFFFFFF;
	p2 =	slt.u32 s8, $0xFFFFF086  }
0x1c: {  	p1 =	slt.u32 s9, $0xF7A;
	s5 =	simm.s32 @!p2 $0x0  }
0x1d: {  	s5 =	simm.s32 @p1 $0x1;
	p0 =	seq.s32 s7, s2  }
0x1e: {  	s7 =	smul.u32 @!p0 $0xF7A, s2;
	p2 =	seq.s32 @!p0 s5, $0x0  }
0x1f: {  	s9 =	smul.u32 $0xF7A, s1;
	s8 =	simm.s32 @!p0 $0x1BF5;
	p2 =	por !p2, p0  }
0x20: {  	[sflag:s8] =	ssyncset.s32 @!p0 $0xFFFFF086;
	s6 =	sadd.s32 @!p0 s3, s7;
	s7 =	simm.s32 @!p0 $0x108  }
0x21: {  	s3 =	sadd.s32 s3, s9;
	s6 =	sadd.s32 @!p0 $0x88, s6;
	s7 =	simm.s32 @p2 $0x1082  }
0x22: {  	[simem:s7], [sflag:s8] =	dma.local @!p0 [hbm:s6], $0xF7A  }
0x23: {  	s9 =	sor.u32 $0xD0000000, s2;
	s6 =	simm.s32 $0x108;
	_ =	swait.ge @!p0 [sflag:s8], $0x0  }
0x24: {  	s3 =	sadd.s32 $0x88, s3;
	s6 =	simm.s32 @!p1 $0x1082;
	[sflag:s4] =	ssyncset.s32 $0xFFFFF086  }
0x25: {  	[simem:s6], [sflag:s4] =	dma.local [hbm:s3], $0xF7A  }
0x26: {  	[smem:$0x3F8F] =	sst s1;
	(tag) =	ssettag s2;
	_ =	strace s9  }
0x27: {  	s1 =	sld [smem:$0x3F9F]  }
0x28: {  	s2 =	sld [smem:$0x3FA0]  }
0x29: {  	s4 =	sld [smem:$0x3FA2]  }
0x2a: {  	p0 =	seq.s32 s5, $0x0;
	s5 =	sld [smem:$0x3FA3]  }
0x2b: {  	s6 =	sld [smem:$0x3FA4]  }
0x2c: {  	s7 =	sld [smem:$0x3FA5]  }
0x2d: {  	s3 =	simm.s32 $0x108;
	s8 =	sld [smem:$0x3FA6]  }
0x2e: {  	s3 =	simm.s32 @!p0 $0x1082;
	s9 =	sld [smem:$0x3FA7]  }
0x2f: {  	lr =	sadd.s32 s0, s3;
	s0 =	sld [smem:$0x3F9E]  }
0x30: {  	s3 =	sld [smem:$0x3FA1]  }
0x31: {  	[smem:$0x3FAA] =	sst s10  }
0x32: {  	s10 =	sld [smem:$0x3FA8];
	_ =	sdelay $0x3  }
0x33: {  	p0 =	seq.s32 s10, $0x1;
	s10 =	sld [smem:$0x3FAA];
	_ =	sdelay $0x3  }
0x34: {  	[smem:$0x3FAA] =	sst s10  }
0x35: {  	s10 =	sld [smem:$0x3FA9];
	_ =	sdelay $0x3  }
0x36: {  	p1 =	seq.s32 s10, $0x1;
	s10 =	sld [smem:$0x3FAA];
	_ =	sdelay $0x3  }
0x37: {  	[smem:$0x3FAA] =	sst s10  }
0x38: {  	s10 =	sld [smem:$0x3FAB]  }
0x39: {  	_ = 	snop;
	(pc) =	sbr.ind lr, $3  }
0x3a: {  	_ = 	snop  }
0x3b: {  	_ = 	snop  }
0x3c: {  	p2 =	seq.s32 s10, $0x1;
	s10 =	sld [smem:$0x3FAA]  }
0x3d: {  	_ =	shalt  }
0x3e: {  	_ =	shalt  }
0x3f: {  	_ =	shalt  }
0x40: {  	_ =	shalt  }
0x41: {  	_ =	shalt  }
0x42: {  	_ =	shalt  }
0x43: {  	_ =	shalt  }
0x44: {  	_ =	shalt  }
0x45: {  	_ =	shalt  }
0x46: {  	_ =	shalt  }
0x47: {  	_ =	shalt  }
0x48: {  	_ =	shalt  }
0x49: {  	_ =	shalt  }
0x4a: {  	_ =	shalt  }
0x4b: {  	_ =	shalt  }
0x4c: {  	_ =	shalt  }
0x4d: {  	_ =	shalt  }
0x4e: {  	_ =	shalt  }
0x4f: {  	_ =	shalt  }
0x50: {  	_ =	shalt  }
0x51: {  	_ =	shalt  }
0x52: {  	_ =	shalt  }
0x53: {  	_ =	shalt  }
0x54: {  	_ =	shalt  }
0x55: {  	_ =	shalt  }
0x56: {  	_ =	shalt  }
0x57: {  	_ =	shalt  }
0x58: {  	_ =	shalt  }
0x59: {  	_ =	shalt  }
0x5a: {  	_ =	shalt  }
0x5b: {  	_ =	shalt  }
0x5c: {  	_ =	shalt  }
0x5d: {  	_ =	shalt  }
0x5e: {  	_ =	shalt  }
0x5f: {  	_ =	shalt  }
0x60: {  	_ =	shalt  }
0x61: {  	_ =	shalt  }
0x62: {  	_ =	shalt  }
0x63: {  	_ =	shalt  }
0x64: {  	_ =	shalt  }
0x65: {  	_ =	shalt  }
0x66: {  	_ =	shalt  }
0x67: {  	_ =	shalt  }
0x68: {  	_ =	shalt  }
0x69: {  	_ =	shalt  }
0x6a: {  	_ =	shalt  }
0x6b: {  	_ =	shalt  }
0x6c: {  	_ =	shalt  }
0x6d: {  	_ =	shalt  }
0x6e: {  	_ =	shalt  }
0x6f: {  	_ =	shalt  }
0x70: {  	_ =	shalt  }
0x71: {  	_ =	shalt  }
0x72: {  	_ =	shalt  }
0x73: {  	_ =	shalt  }
0x74: {  	_ =	shalt  }
0x75: {  	_ =	shalt  }
0x76: {  	_ =	shalt  }
0x77: {  	_ =	shalt  }
0x78: {  	_ =	shalt  }
0x79: {  	_ =	shalt  }
0x7a: {  	_ =	shalt  }
0x7b: {  	_ =	shalt  }
0x7c: {  	_ =	shalt  }
0x7d: {  	_ =	shalt  }
0x7e: {  	_ =	shalt  }
0x7f: {  	_ =	shalt  }
0x80: {  	_ =	shalt  }
0x81: {  	_ =	shalt  }
0x82: {  	_ =	shalt  }
0x83: {  	_ =	shalt  }
0x84: {  	_ =	shalt  }
0x85: {  	_ =	shalt  }
0x86: {  	_ =	shalt  }
0x87: {  	_ =	shalt  }
.Lfunc_end0:
.L_simem_size_0:
called_computation.1_lowered:
.L_overlay_start_0:
0x88: {  	s2 =	sld [smem:$0x3FD9]  }
0x89: {  	s3 =	sld [smem:$0x3FFE];
	_ =	sdelay $0x1  }
0x8a: {  	s1 =	srdreg.scid  }
0x8b: {  	s0 =	sand.u32 $0x1, s1  }
0x8c: {  	s14 =	sshll.u32 s0, $0xA;
	s2 =	sadd.s32 s3, s2  }
0x8d: {  	s2 =	sadd.s32 s2, s14  }
0x8e: {  	[smem:$0x3FB6] =	sst s2  }
0x8f: {  	_ = 	snop  }
0x90: {  	s2 =	sld [smem:$0x3FD0];
	_ =	sdelay $0x2  }
0x91: {  	s15 =	simm.s32 $0xA;
	s4 =	simm.s32 $0x10  }
0x92: {  	[smem:s4], [sflag:s15] =	dma.local [hbm:s2], $0x1  }
0x93: {  	_ =	swait.eq [sflag:s15], $0x1  }
0x94: {  	[sflag:s15] =	ssyncset.done $0x0  }
0x95: {  	[sflag:s15] =	ssyncadd.s32 $0xFFFFFFFF  }
0x96: {  	s16 =	sld [smem:$0x10];
	(tm) =	ssettm $0x1  }
0x97: {  	s17 =	sld [smem:$0x3FFB];
	_ =	sdelay $0x3  }
0x98: {  	_ =	strace s17  }
0x99: {  	s3 =	sld [smem:$0x3FFC];
	_ =	sdelay $0x3  }
0x9a: {  	_ =	strace s3  }
0x9b: {  	s3 =	sld [smem:$0x3FFD];
	_ =	sdelay $0x3  }
0x9c: {  	_ =	strace s3  }
0x9d: {  	_ =	strace $0x8FFFFFFF  }
0x9e: {  	s18 =	sld [smem:$0x3FDB];
	_ =	sdelay $0x1  }
0x9f: {  	s19 =	simm.s32 $_scs_section_size  }
0xa0: {  	s5 =	simm.s32 $_size__tile_overlayer_lowered;
	s6 =	simm.s32 $_tile_overlayer_lowered  }
0xa1: {  	s22 =	simm.s32 $0x1BFF;
	s21 =	sshll.u32 s6, $0x1;
	s3 =	sadd.s32 s19, s18  }
0xa2: {  	s7 =	simm.s32 $0x0;
	s20 =	sshll.u32 s5, $0x1;
	s5 =	sadd.s32 s21, s3  }
0xa3: {  	[timem:s7], [sflag:s22] =	dma.local [hbm:s5], s20  }
0xa4: {  	_ =	swait.ge [sflag:s22], s20  }
0xa5: {  	s4 =	ssub.s32 $0x0, s20;
	[sflag:s22] =	ssyncset.done $0x0  }
0xa6: {  	[sflag:s22] =	ssyncadd.s32 s4;
	_ =	sdelay $0x1  }
0xa7: {  	s23 =	simm.s32 $0x1B8B  }
0xa8: {  	_ =	swait.ge [sflag:s23], $0x1  }
0xa9: {  	[sflag:s23] =	ssyncset.done $0x0  }
0xaa: {  	s25 =	simm.s32 $0x1B8E;
	s24 =	sld [smem:$0x3FFE];
	[sflag:s23] =	ssyncadd.s32 $0xFFFFFFFF  }
0xab: {  	s26 =	simm.s32 $execute0_lowered;
	[smem:$0x3FD2] =	sst s25  }
0xac: {  	s5 =	sshll.u32 s26, $0x1;
	_ =	strace $0x80000049;
	[dreg:$0x1] =	wrdreg $0xFFFFFFFF  }
0xad: {  	s28 =	simm.s32 $_size_execute0_lowered;
	s3 =	sadd.s32 s3, s5;
	[dreg:$0x0] =	wrdreg $0x0  }
0xae: {  	s5 =	sshll.u32 s28, $0x1;
	[dreg:$0x2] =	wrdreg s3  }
0xaf: {  	[dreg:$0x3] =	wrdreg s5  }
0xb0: {  	[dreg:$0x4] =	wrdreg $0xC0  }
0xb1: {  	_ =	task [dreg:s7], $0x5FFFF  }
0xb2: {  	[dreg:$0x1] =	wrdreg $0xFFFFFFFF  }
0xb3: {  	[dreg:$0x0] =	wrdreg $0x60  }
0xb4: {  	[dreg:$0x2] =	wrdreg s16  }
0xb5: {  	[dreg:$0x3] =	wrdreg s24  }
0xb6: {  	[dreg:$0x4] =	wrdreg $0x41000  }
0xb7: {  	[dreg:$0x5] =	wrdreg $0x9  }
0xb8: {  	_ =	task.clear_ibuf [dreg:s7], $0x6FFFF;
	_ =	strace $0x90000049  }
0xb9: {  	s29 =	simm.s32 $0x9;
	_ =	strace $0x8000004B  }
0xba: {  	_ =	swait.ge [sflag:s29], $0x1  }
0xbb: {  	[sflag:s29] =	ssyncadd.s32 $0xFFFFFFFF  }
0xbc: {  	_ =	strace $0x9000004B  }
0xbd: {  	_ =	sfence  }
0xbe: {  	s30 =	sld [smem:$0x0];
	_ =	sdelay $0x2  }
0xbf: {  	s31 =	sshll.u32 s1, $0xD;
	s1 =	sshrl.u32 s1, $0x2  }
0xc0: {  	s3 =	sand.u32 $0x4000, s31;
	s1 =	sadd.s32 s1, s30  }
0xc1: {  	s0 =	sor.u32 s3, s0;
	s1 =	sshll.u32 s1, $0x11  }
0xc2: {  	s0 =	sor.u32 s1, s0  }
0xc3: {  	s0 =	sadd.s32 $0x8F2B, s0  }
0xc4: {  	[sflag:s0] =	ssyncadd.remote.s32 $0x1  }
0xc5: {  	_ =	sfence.sel $0xFFFF  }
0xc6: {  	[dreg:$0x0] =	wrdreg $0xFFFFFFFF;
	(pc) =	sbr.abs _section_cstart, $3  }
0xc7: {  	[dreg:$0x1] =	wrdreg $0xFFFFFFFF  }
0xc8: {  	_ =	task.clear_ibuf [dreg:s7], $0x2FFFF;
	_ =	strace $0x9FFFFFFF  }
0xc9: {  	(tm) =	ssettm $0x7FFFFFFF  }
tec
execute0_lowered:
.L_overlay_start_1:
0x0: {  	(tag) =	ssettag $0x1  }
0x1: {  	s6 =	rddreg [dreg:$0x0]  }
0x2: {  	s4 =	rddreg [dreg:$0x1]  }
0x3: {  	s2 =	rddreg [dreg:$0x2]  }
0x4: {  	s0 =	rddreg [dreg:$0x3];
	s1 =	stileid.u32  }
0x5: {  	s3 =	simm.s32 $0x0;
	s7 =	srdreg.scid;
	s5 =	smul.u32 $0x9E0, s1  }
0x6: {  	s13 =	simm.s32 $0x100;
	s14 =	simm.s32 $0x1;
	s15 =	smul.u32 $0x2780, s1  }
0x7: {  	[smem:$0x7FF] =	sst s3;
	s7 =	sand.u32 $0x1, s7;
	s11 =	smul.u32 $0x4F000, s1  }
0x8: {  	s31 =	sshll.u32 s1, $0x6;
	_ =	strace $0x8000004A;
	s8 =	smul.u32 $0x27800, s7  }
0x9: {  	s9 =	ssub.s32 $0x2, s7;
	s7 =	smul.u32 $0x27100, s7;
	s10 =	sadd.s32 s5, s4  }
0xa: {  	s29 =	sshrl.u32 s9, $0x1;
	s12 =	sadd.s32 s15, s4;
	s30 =	sshrl.u32 s11, $0x2  }
0xb: {  	s5 =	sor.u32 $0x1C02, s31;
	s8 =	sadd.s32 s8, s4;
	s9 =	ssub.s32 s9, s29  }
0xc: {  	s11 =	sadd.s32 s30, s2;
	s4 =	sadd.s32 $0x18800, s12;
	s6 =	sadd.s32 s6, s7  }
0xd: {  	s12 =	simm.s32 $0x80;
	s16 =	sadd.s32 $0x40800, s8;
	s7 =	smax.u32 s9, $0x1  }
0xe: {  	s8 =	sadd.s32 $0xEA00, s10;
	s9 =	sadd.s32 $0x4C00, s10;
	s10 =	sshrl.u32 s11, $0x3  }
0xf: {  	s11 =	simm.s32 $0x2;
	s15 =	sadd.s32 s15, s16;
	s16 =	simm.s32 $0x0  }
.LBB2_1:
0x10: {  	[spmem:s10], [sflag:s5] =	dma.local [hbm:s4], $0x2780  }
0x11: {  	_ =	swait.ge [sflag:s11], $0x2780  }
0x12: {  	[sflag:s11] =	ssyncset.done $0x0  }
0x13: {  	[sflag:s11] =	ssyncadd.s32 $0xFFFFD880  }
0x14: {  	s17 =	sadd.s32 $0x0, s9;
	[bflag:$0x0] =	sbarrier.arrive $0xFFFF  }
0x15: {  	[tilespmem:s3], [sflag:$0x2] =	stream.linear.gather [hbm4b:s17+s3], $0x80, $0x38;
	[tilespmem:$0x17D00] =	vst v63  }
0x16: {  	_ =	swait.ge [sflag:s11], $0x80  }
0x17: {  	[sflag:s11] =	ssyncset.done $0x0  }
0x18: {  	s31 =	sadd.s32 $0x0, s8;
	[sflag:s11] =	ssyncadd.s32 $0xFFFFFF80  }
0x19: {  	[tilespmem:s12], [sflag:$0x2] =	stream.linear.gather [hbm4b:s31+s3], $0x80, $0x38;
	[tilespmem:$0x17D00] =	vst v63  }
0x1a: {  	_ =	swait.ge [sflag:s11], $0x80  }
0x1b: {  	[sflag:s11] =	ssyncset.done $0x0  }
0x1c: {  	[sflag:s11] =	ssyncadd.s32 $0xFFFFFF80  }
0x1d: {  	[tilespmem:s13], [sflag:$0x1] =	stream.indirect.gather [hbm4b:s6+s12], $0x80, s3, s12, $0xb8;
	[tilespmem:$0x17D00] =	vst v63  }
0x1e: {  	_ =	swait.ge [sflag:s14], $0x4000  }
0x1f: {  	[sflag:s14] =	ssyncset.done $0x0  }
0x20: {  	[sflag:s14] =	ssyncadd.s32 $0xFFFFC000  }
0x21: {  	[spmem:s2] =	stream.indirect.scatter.add.f32 [tilespmem:s13], [sflag:$0x2], $0x80, s12, s12, $0xb8;
	[tilespmem:$0x17D00] =	vst v63  }
0x22: {  	_ =	swait.ge [sflag:s11], $0x4000  }
0x23: {  	s18 =	simm.s32 $0x20;
	s17 =	simm.s32 $0x10;
	[sflag:s11] =	ssyncset.done $0x0  }
.LBB2_2:
0x24: {  	s19 =	sadd.s32 s17, s9  }
0x25: {  	[sflag:s11] =	ssyncadd.s32 $0xFFFFC000;
	s20 =	smov.u32 s18;
	s21 =	sadd.s32 $0x10, s18  }
0x26: {  	[tilespmem:s3], [sflag:$0x2] =	stream.linear.gather [hbm4b:s19+s3], $0x80, $0x38;
	[tilespmem:$0x17D00] =	vst v63  }
0x27: {  	p0 =	sne.s32 s18, $0x9D0;
	_ =	swait.ge [sflag:s11], $0x80  }
0x28: {  	[sflag:s11] =	ssyncset.done $0x0  }
0x29: {  	s18 =	sadd.s32 s17, s8;
	s17 =	smov.u32 s20;
	[sflag:s11] =	ssyncadd.s32 $0xFFFFFF80  }
0x2a: {  	[tilespmem:s12], [sflag:$0x2] =	stream.linear.gather [hbm4b:s18+s3], $0x80, $0x38;
	[tilespmem:$0x17D00] =	vst v63  }
0x2b: {  	_ =	swait.ge [sflag:s11], $0x80  }
0x2c: {  	[sflag:s11] =	ssyncset.done $0x0  }
0x2d: {  	[sflag:s11] =	ssyncadd.s32 $0xFFFFFF80  }
0x2e: {  	[tilespmem:s13], [sflag:$0x1] =	stream.indirect.gather [hbm4b:s6+s12], $0x80, s3, s12, $0xb8;
	[tilespmem:$0x17D00] =	vst v63  }
0x2f: {  	_ =	swait.ge [sflag:s14], $0x4000  }
.Ltmp0:
0x30: {  	[sflag:s14] =	ssyncset.done $0x0;
	(pc) =	sbr.rel @p0 .LBB2_2-.Ltmp0, $4  }
0x31: {  	[sflag:s14] =	ssyncadd.s32 $0xFFFFC000  }
0x32: {  	[spmem:s2] =	stream.indirect.scatter.add.f32 [tilespmem:s13], [sflag:$0x2], $0x80, s12, s12, $0xb8;
	[tilespmem:$0x17D00] =	vst v63  }
0x33: {  	_ =	swait.ge [sflag:s11], $0x4000  }
0x34: {  	s18 =	smov.u32 s21;
	[sflag:s11] =	ssyncset.done $0x0  }
0x35: {  	s18 =	sadd.s32 s17, s9;
	[sflag:s11] =	ssyncadd.s32 $0xFFFFC000  }
0x36: {  	[tilespmem:s3], [sflag:$0x2] =	stream.linear.gather [hbm4b:s18+s3], $0x80, $0x38;
	[tilespmem:$0x17D00] =	vst v63  }
0x37: {  	_ =	swait.ge [sflag:s11], $0x80  }
0x38: {  	[sflag:s11] =	ssyncset.done $0x0  }
0x39: {  	s31 =	sadd.s32 s17, s8;
	[sflag:s11] =	ssyncadd.s32 $0xFFFFFF80  }
0x3a: {  	[tilespmem:s12], [sflag:$0x2] =	stream.linear.gather [hbm4b:s31+s3], $0x80, $0x38;
	[tilespmem:$0x17D00] =	vst v63  }
0x3b: {  	_ =	swait.ge [sflag:s11], $0x80  }
0x3c: {  	[sflag:s11] =	ssyncset.done $0x0  }
0x3d: {  	[sflag:s11] =	ssyncadd.s32 $0xFFFFFF80  }
0x3e: {  	[tilespmem:s13], [sflag:$0x1] =	stream.indirect.gather [hbm4b:s6+s12], $0x80, s3, s12, $0xb8;
	[tilespmem:$0x17D00] =	vst v63  }
0x3f: {  	_ =	swait.ge [sflag:s14], $0x4000  }
0x40: {  	[sflag:s14] =	ssyncset.done $0x0  }
0x41: {  	[sflag:s14] =	ssyncadd.s32 $0xFFFFC000  }
0x42: {  	[spmem:s2] =	stream.indirect.scatter.add.f32 [tilespmem:s13], [sflag:$0x2], $0x80, s12, s12, $0xb8;
	[tilespmem:$0x17D00] =	vst v63  }
0x43: {  	_ =	swait.ge [sflag:s11], $0x4000  }
0x44: {  	s16 =	sadd.s32 $0x1, s16;
	[sflag:s11] =	ssyncset.done $0x0  }
0x45: {  	p0 =	sne.s32 s16, s7;
	[sflag:s11] =	ssyncadd.s32 $0xFFFFC000  }
.Ltmp1:
0x46: {  	[bflag:$0x0] =	sbarrier.arrive $0xFFFF;
	(pc) =	sbr.rel @p0 .LBB2_1-.Ltmp1, $4  }
0x47: {  	[hbm:s15], [sflag:s5] =	dma.local [spmem:s10], $0x2780  }
0x48: {  	_ =	swait.ge [sflag:s11], $0x2780  }
0x49: {  	[sflag:s11] =	ssyncset.done $0x0  }
0x4a: {  	[sflag:s11] =	ssyncadd.s32 $0xFFFFD880  }
0x4b: {  	_ =	sfence.sel $0x180000  }
0x4c: {  	[bflag:$0x0] =	sbarrier.arrive $0xFFFF  }
0x4d: {  	p0 =	sne.s32 s1, $0x0;
	_ =	strace $0x9000004A  }
0x4e: {  	s0 =	sadd.s32 @!p0 $0x100000, s0;
	[bflag:$0x2] =	sbarrier.arrive $0xFFFF  }
0x4f: {  	[sflag:s0] =	ssyncadd.tile.s32 @!p0 $0x1;
	_ =	shalt  }
.Lfunc_end2:
_tile_overlayer_lowered:
.L_overlay_start_2:
0x50: {  	(tag) =	ssettag $0x2  }
0x51: {  	s0 =	rddreg [dreg:$0x0];
	s2 =	stileid.u32  }
0x52: {  	s1 =	rddreg [dreg:$0x1];
	p0 =	sne.s32 s2, $0x0  }
0x53: {  	s3 =	rddreg [dreg:$0x2];
	[bflag:$0x3] =	sbarrier.arrive $0xFFFF;
	s2 =	simm.s32 @!p0 $0x1C02  }
0x54: {  	[timem:s3], [sflag:s2] =	dma.local @!p0 [hbm:s0], s1  }
0x55: {  	s0 =	simm.s32 @!p0 $0x2  }
0x56: {  	_ =	swait.ge @!p0 [sflag:s0], s1  }
0x57: {  	s1 =	ssub.s32 @!p0 $0x0, s1;
	[sflag:s0] =	ssyncset.done @!p0 $0x0  }
0x58: {  	[sflag:s0] =	ssyncadd.s32 @!p0 s1  }
0x59: {  	[bflag:$0x3] =	sbarrier.arrive $0xFFFF  }
0x5a: {  	_ =	shalt  }

// kernel: kernel.15.cloned.1.call-start
scs
__scs_entry_jumppad:
0x0: {  	(pc) =	sbr.rel $0x88, $3  }
0x1: {  	(tag) =	ssettag $0x0;
	lr =	simm.s32 $0x1  }
0x2: {  	[smem:$0x3F8F] =	sst lr;
	_ =	strace $0xD0000000  }
0x3: {  	_ = 	snop  }
0x4: {  	_ = 	snop  }
0x5: {  	_ = 	snop  }
0x6: {  	_ = 	snop  }
0x7: {  	_ = 	snop  }
__scs_overlays_trampoline_lowered:
0x8: {  	[smem:$0x3F9E] =	sst s0  }
0x9: {  	[smem:$0x3F9F] =	sst s1  }
0xa: {  	[smem:$0x3FA0] =	sst s2  }
0xb: {  	[smem:$0x3FA1] =	sst s3  }
0xc: {  	[smem:$0x3FA2] =	sst s4  }
0xd: {  	[smem:$0x3FA3] =	sst s5  }
0xe: {  	[smem:$0x3FA4] =	sst s6  }
0xf: {  	[smem:$0x3FA5] =	sst s7  }
0x10: {  	[smem:$0x3FA6] =	sst s8  }
0x11: {  	[smem:$0x3FA7] =	sst s9;
	s0 =	simm.s32 @!p0 $0x0  }
0x12: {  	s1 =	sld [smem:$0x3F8D];
	s0 =	simm.s32 @p0 $0x1  }
0x13: {  	[smem:$0x3FA8] =	sst s0;
	s0 =	simm.s32 @!p1 $0x0  }
0x14: {  	s2 =	sld [smem:$0x3F8C];
	s0 =	simm.s32 @p1 $0x1  }
0x15: {  	[smem:$0x3FA9] =	sst s0;
	s0 =	simm.s32 @!p2 $0x0  }
0x16: {  	s3 =	sld [smem:$0x3FDB];
	s0 =	simm.s32 @p2 $0x1  }
0x17: {  	s4 =	simm.s32 $0x1BF5;
	[smem:$0x3FAB] =	sst s0  }
0x18: {  	s0 =	sld [smem:$0x3F8E];
	_ =	swait.ge [sflag:s4], $0x0  }
0x19: {  	s7 =	sld [smem:$0x3F8F]  }
0x1a: {  	s8 =	sadd.s32 $0xFFFFE003, lr  }
0x1b: {  	s9 =	sadd.s32 $0xFFFFFEF7, lr;
	s5 =	simm.s32 $0xFFFFFFFF;
	p2 =	slt.u32 s8, $0xFFFFF086  }
0x1c: {  	p1 =	slt.u32 s9, $0xF7A;
	s5 =	simm.s32 @!p2 $0x0  }
0x1d: {  	s5 =	simm.s32 @p1 $0x1;
	p0 =	seq.s32 s7, s2  }
0x1e: {  	s7 =	smul.u32 @!p0 $0xF7A, s2;
	p2 =	seq.s32 @!p0 s5, $0x0  }
0x1f: {  	s9 =	smul.u32 $0xF7A, s1;
	s8 =	simm.s32 @!p0 $0x1BF5;
	p2 =	por !p2, p0  }
0x20: {  	[sflag:s8] =	ssyncset.s32 @!p0 $0xFFFFF086;
	s6 =	sadd.s32 @!p0 s3, s7;
	s7 =	simm.s32 @!p0 $0x108  }
0x21: {  	s3 =	sadd.s32 s3, s9;
	s6 =	sadd.s32 @!p0 $0x88, s6;
	s7 =	simm.s32 @p2 $0x1082  }
0x22: {  	[simem:s7], [sflag:s8] =	dma.local @!p0 [hbm:s6], $0xF7A  }
0x23: {  	s9 =	sor.u32 $0xD0000000, s2;
	s6 =	simm.s32 $0x108;
	_ =	swait.ge @!p0 [sflag:s8], $0x0  }
0x24: {  	s3 =	sadd.s32 $0x88, s3;
	s6 =	simm.s32 @!p1 $0x1082;
	[sflag:s4] =	ssyncset.s32 $0xFFFFF086  }
0x25: {  	[simem:s6], [sflag:s4] =	dma.local [hbm:s3], $0xF7A  }
0x26: {  	[smem:$0x3F8F] =	sst s1;
	(tag) =	ssettag s2;
	_ =	strace s9  }
0x27: {  	s1 =	sld [smem:$0x3F9F]  }
0x28: {  	s2 =	sld [smem:$0x3FA0]  }
0x29: {  	s4 =	sld [smem:$0x3FA2]  }
0x2a: {  	p0 =	seq.s32 s5, $0x0;
	s5 =	sld [smem:$0x3FA3]  }
0x2b: {  	s6 =	sld [smem:$0x3FA4]  }
0x2c: {  	s7 =	sld [smem:$0x3FA5]  }
0x2d: {  	s3 =	simm.s32 $0x108;
	s8 =	sld [smem:$0x3FA6]  }
0x2e: {  	s3 =	simm.s32 @!p0 $0x1082;
	s9 =	sld [smem:$0x3FA7]  }
0x2f: {  	lr =	sadd.s32 s0, s3;
	s0 =	sld [smem:$0x3F9E]  }
0x30: {  	s3 =	sld [smem:$0x3FA1]  }
0x31: {  	[smem:$0x3FAA] =	sst s10  }
0x32: {  	s10 =	sld [smem:$0x3FA8];
	_ =	sdelay $0x3  }
0x33: {  	p0 =	seq.s32 s10, $0x1;
	s10 =	sld [smem:$0x3FAA];
	_ =	sdelay $0x3  }
0x34: {  	[smem:$0x3FAA] =	sst s10  }
0x35: {  	s10 =	sld [smem:$0x3FA9];
	_ =	sdelay $0x3  }
0x36: {  	p1 =	seq.s32 s10, $0x1;
	s10 =	sld [smem:$0x3FAA];
	_ =	sdelay $0x3  }
0x37: {  	[smem:$0x3FAA] =	sst s10  }
0x38: {  	s10 =	sld [smem:$0x3FAB]  }
0x39: {  	_ = 	snop;
	(pc) =	sbr.ind lr, $3  }
0x3a: {  	_ = 	snop  }
0x3b: {  	_ = 	snop  }
0x3c: {  	p2 =	seq.s32 s10, $0x1;
	s10 =	sld [smem:$0x3FAA]  }
0x3d: {  	_ =	shalt  }
0x3e: {  	_ =	shalt  }
0x3f: {  	_ =	shalt  }
0x40: {  	_ =	shalt  }
0x41: {  	_ =	shalt  }
0x42: {  	_ =	shalt  }
0x43: {  	_ =	shalt  }
0x44: {  	_ =	shalt  }
0x45: {  	_ =	shalt  }
0x46: {  	_ =	shalt  }
0x47: {  	_ =	shalt  }
0x48: {  	_ =	shalt  }
0x49: {  	_ =	shalt  }
0x4a: {  	_ =	shalt  }
0x4b: {  	_ =	shalt  }
0x4c: {  	_ =	shalt  }
0x4d: {  	_ =	shalt  }
0x4e: {  	_ =	shalt  }
0x4f: {  	_ =	shalt  }
0x50: {  	_ =	shalt  }
0x51: {  	_ =	shalt  }
0x52: {  	_ =	shalt  }
0x53: {  	_ =	shalt  }
0x54: {  	_ =	shalt  }
0x55: {  	_ =	shalt  }
0x56: {  	_ =	shalt  }
0x57: {  	_ =	shalt  }
0x58: {  	_ =	shalt  }
0x59: {  	_ =	shalt  }
0x5a: {  	_ =	shalt  }
0x5b: {  	_ =	shalt  }
0x5c: {  	_ =	shalt  }
0x5d: {  	_ =	shalt  }
0x5e: {  	_ =	shalt  }
0x5f: {  	_ =	shalt  }
0x60: {  	_ =	shalt  }
0x61: {  	_ =	shalt  }
0x62: {  	_ =	shalt  }
0x63: {  	_ =	shalt  }
0x64: {  	_ =	shalt  }
0x65: {  	_ =	shalt  }
0x66: {  	_ =	shalt  }
0x67: {  	_ =	shalt  }
0x68: {  	_ =	shalt  }
0x69: {  	_ =	shalt  }
0x6a: {  	_ =	shalt  }
0x6b: {  	_ =	shalt  }
0x6c: {  	_ =	shalt  }
0x6d: {  	_ =	shalt  }
0x6e: {  	_ =	shalt  }
0x6f: {  	_ =	shalt  }
0x70: {  	_ =	shalt  }
0x71: {  	_ =	shalt  }
0x72: {  	_ =	shalt  }
0x73: {  	_ =	shalt  }
0x74: {  	_ =	shalt  }
0x75: {  	_ =	shalt  }
0x76: {  	_ =	shalt  }
0x77: {  	_ =	shalt  }
0x78: {  	_ =	shalt  }
0x79: {  	_ =	shalt  }
0x7a: {  	_ =	shalt  }
0x7b: {  	_ =	shalt  }
0x7c: {  	_ =	shalt  }
0x7d: {  	_ =	shalt  }
0x7e: {  	_ =	shalt  }
0x7f: {  	_ =	shalt  }
0x80: {  	_ =	shalt  }
0x81: {  	_ =	shalt  }
0x82: {  	_ =	shalt  }
0x83: {  	_ =	shalt  }
0x84: {  	_ =	shalt  }
0x85: {  	_ =	shalt  }
0x86: {  	_ =	shalt  }
0x87: {  	_ =	shalt  }
.Lfunc_end0:
.L_simem_size_0:
called_computation.2_lowered:
.L_overlay_start_0:
0x88: {  	s2 =	sld [smem:$0x3FD9]  }
0x89: {  	s3 =	sld [smem:$0x3FFE];
	_ =	sdelay $0x1  }
0x8a: {  	s1 =	srdreg.scid  }
0x8b: {  	s0 =	sand.u32 $0x1, s1  }
0x8c: {  	s14 =	sshll.u32 s0, $0xA;
	s2 =	sadd.s32 s3, s2  }
0x8d: {  	s2 =	sadd.s32 s2, s14  }
0x8e: {  	[smem:$0x3FB6] =	sst s2  }
0x8f: {  	_ = 	snop  }
0x90: {  	s2 =	sld [smem:$0x3FD0];
	_ =	sdelay $0x2  }
0x91: {  	s15 =	simm.s32 $0xA;
	s4 =	simm.s32 $0x10  }
0x92: {  	[smem:s4], [sflag:s15] =	dma.local [hbm:s2], $0x1  }
0x93: {  	_ =	swait.eq [sflag:s15], $0x1  }
0x94: {  	[sflag:s15] =	ssyncset.done $0x0  }
0x95: {  	[sflag:s15] =	ssyncadd.s32 $0xFFFFFFFF  }
0x96: {  	s16 =	sld [smem:$0x11];
	(tm) =	ssettm $0x1  }
0x97: {  	s17 =	sld [smem:$0x3FFB];
	_ =	sdelay $0x3  }
0x98: {  	_ =	strace s17  }
0x99: {  	s3 =	sld [smem:$0x3FFC];
	_ =	sdelay $0x3  }
0x9a: {  	_ =	strace s3  }
0x9b: {  	s3 =	sld [smem:$0x3FFD];
	_ =	sdelay $0x3  }
0x9c: {  	_ =	strace s3  }
0x9d: {  	_ =	strace $0x8FFFFFFF  }
0x9e: {  	s18 =	sld [smem:$0x3FDB];
	_ =	sdelay $0x1  }
0x9f: {  	s19 =	simm.s32 $_scs_section_size  }
0xa0: {  	s5 =	simm.s32 $_size__tile_overlayer_lowered;
	s6 =	simm.s32 $_tile_overlayer_lowered  }
0xa1: {  	s22 =	simm.s32 $0x1BFF;
	s21 =	sshll.u32 s6, $0x1;
	s3 =	sadd.s32 s19, s18  }
0xa2: {  	s7 =	simm.s32 $0x0;
	s20 =	sshll.u32 s5, $0x1;
	s5 =	sadd.s32 s21, s3  }
0xa3: {  	[timem:s7], [sflag:s22] =	dma.local [hbm:s5], s20  }
0xa4: {  	_ =	swait.ge [sflag:s22], s20  }
0xa5: {  	s4 =	ssub.s32 $0x0, s20;
	[sflag:s22] =	ssyncset.done $0x0  }
0xa6: {  	[sflag:s22] =	ssyncadd.s32 s4;
	_ =	sdelay $0x1  }
0xa7: {  	s23 =	simm.s32 $0x1B8B  }
0xa8: {  	_ =	swait.ge [sflag:s23], $0x1  }
0xa9: {  	[sflag:s23] =	ssyncset.done $0x0  }
0xaa: {  	s25 =	simm.s32 $0x1B8E;
	s24 =	sld [smem:$0x3FFE];
	[sflag:s23] =	ssyncadd.s32 $0xFFFFFFFF  }
0xab: {  	s26 =	simm.s32 $execute0_lowered;
	[smem:$0x3FD2] =	sst s25  }
0xac: {  	s5 =	sshll.u32 s26, $0x1;
	_ =	strace $0x8000004C;
	[dreg:$0x1] =	wrdreg $0xFFFFFFFF  }
0xad: {  	s28 =	simm.s32 $_size_execute0_lowered;
	s3 =	sadd.s32 s3, s5;
	[dreg:$0x0] =	wrdreg $0x0  }
0xae: {  	s5 =	sshll.u32 s28, $0x1;
	[dreg:$0x2] =	wrdreg s3  }
0xaf: {  	[dreg:$0x3] =	wrdreg s5  }
0xb0: {  	[dreg:$0x4] =	wrdreg $0xC0  }
0xb1: {  	_ =	task [dreg:s7], $0x5FFFF  }
0xb2: {  	[dreg:$0x1] =	wrdreg $0xFFFFFFFF  }
0xb3: {  	[dreg:$0x0] =	wrdreg $0x60  }
0xb4: {  	[dreg:$0x2] =	wrdreg s16  }
0xb5: {  	[dreg:$0x3] =	wrdreg s24  }
0xb6: {  	[dreg:$0x4] =	wrdreg $0x41000  }
0xb7: {  	[dreg:$0x5] =	wrdreg $0x9  }
0xb8: {  	_ =	task.clear_ibuf [dreg:s7], $0x6FFFF;
	_ =	strace $0x9000004C  }
0xb9: {  	s29 =	simm.s32 $0x9;
	_ =	strace $0x8000004E  }
0xba: {  	_ =	swait.ge [sflag:s29], $0x1  }
0xbb: {  	[sflag:s29] =	ssyncadd.s32 $0xFFFFFFFF  }
0xbc: {  	_ =	strace $0x9000004E  }
0xbd: {  	_ =	sfence  }
0xbe: {  	s30 =	sld [smem:$0x0];
	_ =	sdelay $0x2  }
0xbf: {  	s31 =	sshll.u32 s1, $0xD;
	s1 =	sshrl.u32 s1, $0x2  }
0xc0: {  	s3 =	sand.u32 $0x4000, s31;
	s1 =	sadd.s32 s1, s30  }
0xc1: {  	s0 =	sor.u32 s3, s0;
	s1 =	sshll.u32 s1, $0x11  }
0xc2: {  	s0 =	sor.u32 s1, s0  }
0xc3: {  	s0 =	sadd.s32 $0x8F2B, s0  }
0xc4: {  	[sflag:s0] =	ssyncadd.remote.s32 $0x1  }
0xc5: {  	_ =	sfence.sel $0xFFFF  }
0xc6: {  	[dreg:$0x0] =	wrdreg $0xFFFFFFFF;
	(pc) =	sbr.abs _section_cstart, $3  }
0xc7: {  	[dreg:$0x1] =	wrdreg $0xFFFFFFFF  }
0xc8: {  	_ =	task.clear_ibuf [dreg:s7], $0x2FFFF;
	_ =	strace $0x9FFFFFFF  }
0xc9: {  	(tm) =	ssettm $0x7FFFFFFF  }
tec
execute0_lowered:
.L_overlay_start_1:
0x0: {  	(tag) =	ssettag $0x1  }
0x1: {  	s1 =	rddreg [dreg:$0x0]  }
0x2: {  	s5 =	rddreg [dreg:$0x1]  }
0x3: {  	s2 =	rddreg [dreg:$0x2];
	s3 =	srdreg.scid  }
0x4: {  	s0 =	rddreg [dreg:$0x3];
	s6 =	sand.u32 $0x1, s3  }
0x5: {  	s3 =	stileid.u32;
	s7 =	smul.u32 $0x4F00, s6  }
0x6: {  	s4 =	simm.s32 $0x0;
	s13 =	simm.s32 $0x100;
	s15 =	smul.u32 $0x2780, s3  }
0x7: {  	s14 =	simm.s32 $0x1;
	[smem:$0x7FF] =	sst s4;
	s8 =	smul.u32 $0x27800, s6  }
0x8: {  	_ =	strace $0x8000004D;
	s6 =	ssub.s32 $0x2, s6;
	s10 =	smul.u32 $0x4F000, s3  }
0x9: {  	s30 =	sshll.u32 s3, $0x6;
	s31 =	smul.u32 $0x4F0, s3;
	s28 =	sshrl.u32 s6, $0x1  }
0xa: {  	s9 =	sadd.s32 s7, s5;
	s11 =	sadd.s32 s15, s5;
	s8 =	sadd.s32 s8, s5  }
0xb: {  	s7 =	ssub.s32 s6, s28;
	s29 =	sshrl.u32 s10, $0x2;
	s6 =	sor.u32 $0x1C02, s30  }
0xc: {  	s12 =	sadd.s32 s29, s2;
	s5 =	sadd.s32 $0x18800, s11;
	s16 =	sadd.s32 $0x8EA00, s8  }
0xd: {  	s7 =	smax.u32 s7, $0x1;
	s9 =	sadd.s32 s31, s9;
	s11 =	simm.s32 $0x2  }
0xe: {  	s8 =	sadd.s32 $0xEA00, s9;
	s9 =	sadd.s32 $0x4C00, s9;
	s10 =	sshrl.u32 s12, $0x3  }
0xf: {  	s12 =	simm.s32 $0x80;
	s15 =	sadd.s32 s15, s16;
	s16 =	simm.s32 $0x0  }
.LBB2_1:
0x10: {  	[spmem:s10], [sflag:s6] =	dma.local [hbm:s5], $0x2780  }
0x11: {  	_ =	swait.ge [sflag:s11], $0x2780  }
0x12: {  	[sflag:s11] =	ssyncset.done $0x0  }
0x13: {  	[sflag:s11] =	ssyncadd.s32 $0xFFFFD880  }
0x14: {  	s17 =	sadd.s32 $0x0, s9;
	[bflag:$0x0] =	sbarrier.arrive $0xFFFF  }
0x15: {  	[tilespmem:s4], [sflag:$0x2] =	stream.linear.gather [hbm4b:s17+s4], $0x80, $0x38;
	[tilespmem:$0x17D00] =	vst v63  }
0x16: {  	_ =	swait.ge [sflag:s11], $0x80  }
0x17: {  	[sflag:s11] =	ssyncset.done $0x0  }
0x18: {  	s31 =	sadd.s32 $0x0, s8;
	[sflag:s11] =	ssyncadd.s32 $0xFFFFFF80  }
0x19: {  	[tilespmem:s12], [sflag:$0x2] =	stream.linear.gather [hbm4b:s31+s4], $0x80, $0x38;
	[tilespmem:$0x17D00] =	vst v63  }
0x1a: {  	_ =	swait.ge [sflag:s11], $0x80  }
0x1b: {  	[sflag:s11] =	ssyncset.done $0x0  }
0x1c: {  	[sflag:s11] =	ssyncadd.s32 $0xFFFFFF80  }
0x1d: {  	[tilespmem:s13], [sflag:$0x1] =	stream.indirect.gather [hbm4b:s1+s12], $0x80, s4, s12, $0xb8;
	[tilespmem:$0x17D00] =	vst v63  }
0x1e: {  	_ =	swait.ge [sflag:s14], $0x4000  }
0x1f: {  	[sflag:s14] =	ssyncset.done $0x0  }
0x20: {  	[sflag:s14] =	ssyncadd.s32 $0xFFFFC000  }
0x21: {  	[spmem:s2] =	stream.indirect.scatter.add.f32 [tilespmem:s13], [sflag:$0x2], $0x80, s12, s12, $0xb8;
	[tilespmem:$0x17D00] =	vst v63  }
0x22: {  	_ =	swait.ge [sflag:s11], $0x4000  }
0x23: {  	s18 =	simm.s32 $0x20;
	s17 =	simm.s32 $0x10;
	[sflag:s11] =	ssyncset.done $0x0  }
.LBB2_2:
0x24: {  	s19 =	sadd.s32 s17, s9  }
0x25: {  	[sflag:s11] =	ssyncadd.s32 $0xFFFFC000;
	s20 =	smov.u32 s18;
	s21 =	sadd.s32 $0x10, s18  }
0x26: {  	[tilespmem:s4], [sflag:$0x2] =	stream.linear.gather [hbm4b:s19+s4], $0x80, $0x38;
	[tilespmem:$0x17D00] =	vst v63  }
0x27: {  	p0 =	sne.s32 s18, $0x4E0;
	_ =	swait.ge [sflag:s11], $0x80  }
0x28: {  	[sflag:s11] =	ssyncset.done $0x0  }
0x29: {  	s18 =	sadd.s32 s17, s8;
	s17 =	smov.u32 s20;
	[sflag:s11] =	ssyncadd.s32 $0xFFFFFF80  }
0x2a: {  	[tilespmem:s12], [sflag:$0x2] =	stream.linear.gather [hbm4b:s18+s4], $0x80, $0x38;
	[tilespmem:$0x17D00] =	vst v63  }
0x2b: {  	_ =	swait.ge [sflag:s11], $0x80  }
0x2c: {  	[sflag:s11] =	ssyncset.done $0x0  }
0x2d: {  	[sflag:s11] =	ssyncadd.s32 $0xFFFFFF80  }
0x2e: {  	[tilespmem:s13], [sflag:$0x1] =	stream.indirect.gather [hbm4b:s1+s12], $0x80, s4, s12, $0xb8;
	[tilespmem:$0x17D00] =	vst v63  }
0x2f: {  	_ =	swait.ge [sflag:s14], $0x4000  }
.Ltmp0:
0x30: {  	[sflag:s14] =	ssyncset.done $0x0;
	(pc) =	sbr.rel @p0 .LBB2_2-.Ltmp0, $4  }
0x31: {  	[sflag:s14] =	ssyncadd.s32 $0xFFFFC000  }
0x32: {  	[spmem:s2] =	stream.indirect.scatter.add.f32 [tilespmem:s13], [sflag:$0x2], $0x80, s12, s12, $0xb8;
	[tilespmem:$0x17D00] =	vst v63  }
0x33: {  	_ =	swait.ge [sflag:s11], $0x4000  }
0x34: {  	s18 =	smov.u32 s21;
	[sflag:s11] =	ssyncset.done $0x0  }
0x35: {  	s18 =	sadd.s32 s17, s9;
	[sflag:s11] =	ssyncadd.s32 $0xFFFFC000  }
0x36: {  	[tilespmem:s4], [sflag:$0x2] =	stream.linear.gather [hbm4b:s18+s4], $0x80, $0x38;
	[tilespmem:$0x17D00] =	vst v63  }
0x37: {  	_ =	swait.ge [sflag:s11], $0x80  }
0x38: {  	[sflag:s11] =	ssyncset.done $0x0  }
0x39: {  	s31 =	sadd.s32 s17, s8;
	[sflag:s11] =	ssyncadd.s32 $0xFFFFFF80  }
0x3a: {  	[tilespmem:s12], [sflag:$0x2] =	stream.linear.gather [hbm4b:s31+s4], $0x80, $0x38;
	[tilespmem:$0x17D00] =	vst v63  }
0x3b: {  	_ =	swait.ge [sflag:s11], $0x80  }
0x3c: {  	[sflag:s11] =	ssyncset.done $0x0  }
0x3d: {  	[sflag:s11] =	ssyncadd.s32 $0xFFFFFF80  }
0x3e: {  	[tilespmem:s13], [sflag:$0x1] =	stream.indirect.gather [hbm4b:s1+s12], $0x80, s4, s12, $0xb8;
	[tilespmem:$0x17D00] =	vst v63  }
0x3f: {  	_ =	swait.ge [sflag:s14], $0x4000  }
0x40: {  	[sflag:s14] =	ssyncset.done $0x0  }
0x41: {  	[sflag:s14] =	ssyncadd.s32 $0xFFFFC000  }
0x42: {  	[spmem:s2] =	stream.indirect.scatter.add.f32 [tilespmem:s13], [sflag:$0x2], $0x80, s12, s12, $0xb8;
	[tilespmem:$0x17D00] =	vst v63  }
0x43: {  	_ =	swait.ge [sflag:s11], $0x4000  }
0x44: {  	s16 =	sadd.s32 $0x1, s16;
	[sflag:s11] =	ssyncset.done $0x0  }
0x45: {  	p0 =	sne.s32 s16, s7;
	[sflag:s11] =	ssyncadd.s32 $0xFFFFC000  }
.Ltmp1:
0x46: {  	[bflag:$0x0] =	sbarrier.arrive $0xFFFF;
	(pc) =	sbr.rel @p0 .LBB2_1-.Ltmp1, $4  }
0x47: {  	[hbm:s15], [sflag:s6] =	dma.local [spmem:s10], $0x2780  }
0x48: {  	_ =	swait.ge [sflag:s11], $0x2780  }
0x49: {  	[sflag:s11] =	ssyncset.done $0x0  }
0x4a: {  	[sflag:s11] =	ssyncadd.s32 $0xFFFFD880  }
0x4b: {  	_ =	sfence.sel $0x180000  }
0x4c: {  	[bflag:$0x0] =	sbarrier.arrive $0xFFFF  }
0x4d: {  	p0 =	sne.s32 s3, $0x0;
	_ =	strace $0x9000004D  }
0x4e: {  	s0 =	sadd.s32 @!p0 $0x100000, s0;
	[bflag:$0x2] =	sbarrier.arrive $0xFFFF  }
0x4f: {  	[sflag:s0] =	ssyncadd.tile.s32 @!p0 $0x1;
	_ =	shalt  }
.Lfunc_end2:
_tile_overlayer_lowered:
.L_overlay_start_2:
0x50: {  	(tag) =	ssettag $0x2  }
0x51: {  	s0 =	rddreg [dreg:$0x0];
	s2 =	stileid.u32  }
0x52: {  	s1 =	rddreg [dreg:$0x1];
	p0 =	sne.s32 s2, $0x0  }
0x53: {  	s3 =	rddreg [dreg:$0x2];
	[bflag:$0x3] =	sbarrier.arrive $0xFFFF;
	s2 =	simm.s32 @!p0 $0x1C02  }
0x54: {  	[timem:s3], [sflag:s2] =	dma.local @!p0 [hbm:s0], s1  }
0x55: {  	s0 =	simm.s32 @!p0 $0x2  }
0x56: {  	_ =	swait.ge @!p0 [sflag:s0], s1  }
0x57: {  	s1 =	ssub.s32 @!p0 $0x0, s1;
	[sflag:s0] =	ssyncset.done @!p0 $0x0  }
0x58: {  	[sflag:s0] =	ssyncadd.s32 @!p0 s1  }
0x59: {  	[bflag:$0x3] =	sbarrier.arrive $0xFFFF  }
0x5a: {  	_ =	shalt  }

// kernel: kernel.9.cloned.1.call-start
scs
__scs_entry_jumppad:
0x0: {  	(pc) =	sbr.rel $0x88, $3  }
0x1: {  	(tag) =	ssettag $0x0;
	lr =	simm.s32 $0x1  }
0x2: {  	[smem:$0x3F8F] =	sst lr;
	_ =	strace $0xD0000000  }
0x3: {  	_ = 	snop  }
0x4: {  	_ = 	snop  }
0x5: {  	_ = 	snop  }
0x6: {  	_ = 	snop  }
0x7: {  	_ = 	snop  }
__scs_overlays_trampoline_lowered:
0x8: {  	[smem:$0x3F9E] =	sst s0  }
0x9: {  	[smem:$0x3F9F] =	sst s1  }
0xa: {  	[smem:$0x3FA0] =	sst s2  }
0xb: {  	[smem:$0x3FA1] =	sst s3  }
0xc: {  	[smem:$0x3FA2] =	sst s4  }
0xd: {  	[smem:$0x3FA3] =	sst s5  }
0xe: {  	[smem:$0x3FA4] =	sst s6  }
0xf: {  	[smem:$0x3FA5] =	sst s7  }
0x10: {  	[smem:$0x3FA6] =	sst s8  }
0x11: {  	[smem:$0x3FA7] =	sst s9;
	s0 =	simm.s32 @!p0 $0x0  }
0x12: {  	s1 =	sld [smem:$0x3F8D];
	s0 =	simm.s32 @p0 $0x1  }
0x13: {  	[smem:$0x3FA8] =	sst s0;
	s0 =	simm.s32 @!p1 $0x0  }
0x14: {  	s2 =	sld [smem:$0x3F8C];
	s0 =	simm.s32 @p1 $0x1  }
0x15: {  	[smem:$0x3FA9] =	sst s0;
	s0 =	simm.s32 @!p2 $0x0  }
0x16: {  	s3 =	sld [smem:$0x3FDB];
	s0 =	simm.s32 @p2 $0x1  }
0x17: {  	s4 =	simm.s32 $0x1BF5;
	[smem:$0x3FAB] =	sst s0  }
0x18: {  	s0 =	sld [smem:$0x3F8E];
	_ =	swait.ge [sflag:s4], $0x0  }
0x19: {  	s7 =	sld [smem:$0x3F8F]  }
0x1a: {  	s8 =	sadd.s32 $0xFFFFE003, lr  }
0x1b: {  	s9 =	sadd.s32 $0xFFFFFEF7, lr;
	s5 =	simm.s32 $0xFFFFFFFF;
	p2 =	slt.u32 s8, $0xFFFFF086  }
0x1c: {  	p1 =	slt.u32 s9, $0xF7A;
	s5 =	simm.s32 @!p2 $0x0  }
0x1d: {  	s5 =	simm.s32 @p1 $0x1;
	p0 =	seq.s32 s7, s2  }
0x1e: {  	s7 =	smul.u32 @!p0 $0xF7A, s2;
	p2 =	seq.s32 @!p0 s5, $0x0  }
0x1f: {  	s9 =	smul.u32 $0xF7A, s1;
	s8 =	simm.s32 @!p0 $0x1BF5;
	p2 =	por !p2, p0  }
0x20: {  	[sflag:s8] =	ssyncset.s32 @!p0 $0xFFFFF086;
	s6 =	sadd.s32 @!p0 s3, s7;
	s7 =	simm.s32 @!p0 $0x108  }
0x21: {  	s3 =	sadd.s32 s3, s9;
	s6 =	sadd.s32 @!p0 $0x88, s6;
	s7 =	simm.s32 @p2 $0x1082  }
0x22: {  	[simem:s7], [sflag:s8] =	dma.local @!p0 [hbm:s6], $0xF7A  }
0x23: {  	s9 =	sor.u32 $0xD0000000, s2;
	s6 =	simm.s32 $0x108;
	_ =	swait.ge @!p0 [sflag:s8], $0x0  }
0x24: {  	s3 =	sadd.s32 $0x88, s3;
	s6 =	simm.s32 @!p1 $0x1082;
	[sflag:s4] =	ssyncset.s32 $0xFFFFF086  }
0x25: {  	[simem:s6], [sflag:s4] =	dma.local [hbm:s3], $0xF7A  }
0x26: {  	[smem:$0x3F8F] =	sst s1;
	(tag) =	ssettag s2;
	_ =	strace s9  }
0x27: {  	s1 =	sld [smem:$0x3F9F]  }
0x28: {  	s2 =	sld [smem:$0x3FA0]  }
0x29: {  	s4 =	sld [smem:$0x3FA2]  }
0x2a: {  	p0 =	seq.s32 s5, $0x0;
	s5 =	sld [smem:$0x3FA3]  }
0x2b: {  	s6 =	sld [smem:$0x3FA4]  }
0x2c: {  	s7 =	sld [smem:$0x3FA5]  }
0x2d: {  	s3 =	simm.s32 $0x108;
	s8 =	sld [smem:$0x3FA6]  }
0x2e: {  	s3 =	simm.s32 @!p0 $0x1082;
	s9 =	sld [smem:$0x3FA7]  }
0x2f: {  	lr =	sadd.s32 s0, s3;
	s0 =	sld [smem:$0x3F9E]  }
0x30: {  	s3 =	sld [smem:$0x3FA1]  }
0x31: {  	[smem:$0x3FAA] =	sst s10  }
0x32: {  	s10 =	sld [smem:$0x3FA8];
	_ =	sdelay $0x3  }
0x33: {  	p0 =	seq.s32 s10, $0x1;
	s10 =	sld [smem:$0x3FAA];
	_ =	sdelay $0x3  }
0x34: {  	[smem:$0x3FAA] =	sst s10  }
0x35: {  	s10 =	sld [smem:$0x3FA9];
	_ =	sdelay $0x3  }
0x36: {  	p1 =	seq.s32 s10, $0x1;
	s10 =	sld [smem:$0x3FAA];
	_ =	sdelay $0x3  }
0x37: {  	[smem:$0x3FAA] =	sst s10  }
0x38: {  	s10 =	sld [smem:$0x3FAB]  }
0x39: {  	_ = 	snop;
	(pc) =	sbr.ind lr, $3  }
0x3a: {  	_ = 	snop  }
0x3b: {  	_ = 	snop  }
0x3c: {  	p2 =	seq.s32 s10, $0x1;
	s10 =	sld [smem:$0x3FAA]  }
0x3d: {  	_ =	shalt  }
0x3e: {  	_ =	shalt  }
0x3f: {  	_ =	shalt  }
0x40: {  	_ =	shalt  }
0x41: {  	_ =	shalt  }
0x42: {  	_ =	shalt  }
0x43: {  	_ =	shalt  }
0x44: {  	_ =	shalt  }
0x45: {  	_ =	shalt  }
0x46: {  	_ =	shalt  }
0x47: {  	_ =	shalt  }
0x48: {  	_ =	shalt  }
0x49: {  	_ =	shalt  }
0x4a: {  	_ =	shalt  }
0x4b: {  	_ =	shalt  }
0x4c: {  	_ =	shalt  }
0x4d: {  	_ =	shalt  }
0x4e: {  	_ =	shalt  }
0x4f: {  	_ =	shalt  }
0x50: {  	_ =	shalt  }
0x51: {  	_ =	shalt  }
0x52: {  	_ =	shalt  }
0x53: {  	_ =	shalt  }
0x54: {  	_ =	shalt  }
0x55: {  	_ =	shalt  }
0x56: {  	_ =	shalt  }
0x57: {  	_ =	shalt  }
0x58: {  	_ =	shalt  }
0x59: {  	_ =	shalt  }
0x5a: {  	_ =	shalt  }
0x5b: {  	_ =	shalt  }
0x5c: {  	_ =	shalt  }
0x5d: {  	_ =	shalt  }
0x5e: {  	_ =	shalt  }
0x5f: {  	_ =	shalt  }
0x60: {  	_ =	shalt  }
0x61: {  	_ =	shalt  }
0x62: {  	_ =	shalt  }
0x63: {  	_ =	shalt  }
0x64: {  	_ =	shalt  }
0x65: {  	_ =	shalt  }
0x66: {  	_ =	shalt  }
0x67: {  	_ =	shalt  }
0x68: {  	_ =	shalt  }
0x69: {  	_ =	shalt  }
0x6a: {  	_ =	shalt  }
0x6b: {  	_ =	shalt  }
0x6c: {  	_ =	shalt  }
0x6d: {  	_ =	shalt  }
0x6e: {  	_ =	shalt  }
0x6f: {  	_ =	shalt  }
0x70: {  	_ =	shalt  }
0x71: {  	_ =	shalt  }
0x72: {  	_ =	shalt  }
0x73: {  	_ =	shalt  }
0x74: {  	_ =	shalt  }
0x75: {  	_ =	shalt  }
0x76: {  	_ =	shalt  }
0x77: {  	_ =	shalt  }
0x78: {  	_ =	shalt  }
0x79: {  	_ =	shalt  }
0x7a: {  	_ =	shalt  }
0x7b: {  	_ =	shalt  }
0x7c: {  	_ =	shalt  }
0x7d: {  	_ =	shalt  }
0x7e: {  	_ =	shalt  }
0x7f: {  	_ =	shalt  }
0x80: {  	_ =	shalt  }
0x81: {  	_ =	shalt  }
0x82: {  	_ =	shalt  }
0x83: {  	_ =	shalt  }
0x84: {  	_ =	shalt  }
0x85: {  	_ =	shalt  }
0x86: {  	_ =	shalt  }
0x87: {  	_ =	shalt  }
.Lfunc_end0:
.L_simem_size_0:
called_computation_lowered:
.L_overlay_start_0:
0x88: {  	s2 =	sld [smem:$0x3FD9]  }
0x89: {  	s3 =	sld [smem:$0x3FFE];
	_ =	sdelay $0x1  }
0x8a: {  	s1 =	srdreg.scid  }
0x8b: {  	s0 =	sand.u32 $0x1, s1  }
0x8c: {  	s17 =	sshll.u32 s0, $0xA;
	s2 =	sadd.s32 s3, s2  }
0x8d: {  	s2 =	sadd.s32 s2, s17  }
0x8e: {  	[smem:$0x3FB6] =	sst s2  }
0x8f: {  	_ = 	snop  }
0x90: {  	s2 =	sld [smem:$0x3FC9];
	(tm) =	ssettm $0x1  }
0x91: {  	s18 =	sld [smem:$0x3FFB];
	_ =	sdelay $0x3  }
0x92: {  	_ =	strace s18  }
0x93: {  	s3 =	sld [smem:$0x3FFC];
	_ =	sdelay $0x3  }
0x94: {  	_ =	strace s3  }
0x95: {  	s3 =	sld [smem:$0x3FFD];
	_ =	sdelay $0x3  }
0x96: {  	_ =	strace s3  }
0x97: {  	_ =	strace $0x8FFFFFFF  }
0x98: {  	s19 =	sld [smem:$0x3FDB];
	_ =	sdelay $0x1  }
0x99: {  	s4 =	simm.s32 $_scs_section_size  }
0x9a: {  	s5 =	simm.s32 $_size__tile_overlayer_lowered;
	s6 =	simm.s32 $_tile_overlayer_lowered  }
0x9b: {  	s22 =	simm.s32 $0x1BFF;
	s21 =	sshll.u32 s6, $0x1;
	s3 =	sadd.s32 s4, s19  }
0x9c: {  	s7 =	simm.s32 $0x0;
	s20 =	sshll.u32 s5, $0x1;
	s5 =	sadd.s32 s21, s3  }
0x9d: {  	[timem:s7], [sflag:s22] =	dma.local [hbm:s5], s20  }
0x9e: {  	_ =	swait.ge [sflag:s22], s20  }
0x9f: {  	s4 =	ssub.s32 $0x0, s20;
	[sflag:s22] =	ssyncset.done $0x0  }
0xa0: {  	[sflag:s22] =	ssyncadd.s32 s4;
	_ =	sdelay $0x1  }
0xa1: {  	s23 =	simm.s32 $0x1B8B  }
0xa2: {  	_ =	swait.ge [sflag:s23], $0x1  }
0xa3: {  	[sflag:s23] =	ssyncset.done $0x0  }
0xa4: {  	s25 =	simm.s32 $0x1B8E;
	s24 =	sld [smem:$0x3FFE];
	[sflag:s23] =	ssyncadd.s32 $0xFFFFFFFF  }
0xa5: {  	s26 =	simm.s32 $execute0_lowered;
	[smem:$0x3FD2] =	sst s25  }
0xa6: {  	s5 =	sshll.u32 s26, $0x1;
	_ =	strace $0x80000046;
	[dreg:$0x1] =	wrdreg $0xFFFFFFFF  }
0xa7: {  	s28 =	simm.s32 $_size_execute0_lowered;
	s3 =	sadd.s32 s3, s5;
	[dreg:$0x0] =	wrdreg $0x0  }
0xa8: {  	s5 =	sshll.u32 s28, $0x1;
	[dreg:$0x2] =	wrdreg s3  }
0xa9: {  	[dreg:$0x3] =	wrdreg s5  }
0xaa: {  	[dreg:$0x4] =	wrdreg $0xC0  }
0xab: {  	_ =	task [dreg:s7], $0x5FFFF  }
0xac: {  	[dreg:$0x1] =	wrdreg $0xFFFFFFFF  }
0xad: {  	[dreg:$0x0] =	wrdreg $0x60  }
0xae: {  	[dreg:$0x2] =	wrdreg s2  }
0xaf: {  	[dreg:$0x3] =	wrdreg s24  }
0xb0: {  	[dreg:$0x4] =	wrdreg $0x41000  }
0xb1: {  	[dreg:$0x5] =	wrdreg $0x9  }
0xb2: {  	_ =	task.clear_ibuf [dreg:s7], $0x6FFFF;
	_ =	strace $0x90000046  }
0xb3: {  	s29 =	simm.s32 $0x9;
	_ =	strace $0x80000048  }
0xb4: {  	_ =	swait.ge [sflag:s29], $0x1  }
0xb5: {  	[sflag:s29] =	ssyncadd.s32 $0xFFFFFFFF  }
0xb6: {  	_ =	strace $0x90000048  }
0xb7: {  	_ =	sfence  }
0xb8: {  	s30 =	sld [smem:$0x0];
	_ =	sdelay $0x2  }
0xb9: {  	s31 =	sshll.u32 s1, $0xD;
	s1 =	sshrl.u32 s1, $0x2  }
0xba: {  	s3 =	sand.u32 $0x4000, s31;
	s1 =	sadd.s32 s1, s30  }
0xbb: {  	s0 =	sor.u32 s3, s0;
	s1 =	sshll.u32 s1, $0x11  }
0xbc: {  	s0 =	sor.u32 s1, s0  }
0xbd: {  	s0 =	sadd.s32 $0x8F2B, s0  }
0xbe: {  	[sflag:s0] =	ssyncadd.remote.s32 $0x1  }
0xbf: {  	_ =	sfence.sel $0xFFFF  }
0xc0: {  	[dreg:$0x0] =	wrdreg $0xFFFFFFFF;
	(pc) =	sbr.abs _section_cstart, $3  }
0xc1: {  	[dreg:$0x1] =	wrdreg $0xFFFFFFFF  }
0xc2: {  	_ =	task.clear_ibuf [dreg:s7], $0x2FFFF;
	_ =	strace $0x9FFFFFFF  }
0xc3: {  	(tm) =	ssettm $0x7FFFFFFF  }
tec
execute0_lowered:
.L_overlay_start_1:
0x0: {  	(tag) =	ssettag $0x1  }
0x1: {  	s2 =	rddreg [dreg:$0x0]  }
0x2: {  	s6 =	rddreg [dreg:$0x1]  }
0x3: {  	s3 =	rddreg [dreg:$0x2]  }
0x4: {  	s0 =	rddreg [dreg:$0x3];
	s1 =	stileid.u32;
	s4 =	simm.s32 $0x0  }
0x5: {  	s7 =	srdreg.scid;
	s14 =	simm.s32 $0x80;
	s5 =	smul.u32 $0x9E0, s1  }
0x6: {  	s17 =	simm.s32 $0x0;
	[smem:$0x7FF] =	sst s4;
	s15 =	smul.u32 $0x2780, s1  }
0x7: {  	s8 =	sand.u32 $0x1, s7;
	s12 =	smul.u32 $0x4F000, s1;
	s31 =	sshll.u32 s1, $0x6  }
0x8: {  	_ =	strace $0x80000047;
	s7 =	smul.u32 $0x27800, s8;
	s11 =	ssub.s32 $0x2, s8  }
0x9: {  	p0 =	seq.s32 s8, $0x1;
	s10 =	sadd.s32 s5, s6;
	s9 =	sadd.s32 s15, s6  }
0xa: {  	s5 =	sadd.s32 $0x40000, s6;
	s29 =	sshrl.u32 s11, $0x1;
	s30 =	sshrl.u32 s12, $0x2  }
.Ltmp0:
0xb: {  	s13 =	sadd.s32 s7, s6;
	s11 =	ssub.s32 s11, s29;
	(pc) =	sbr.rel .LBB2_1-.Ltmp0, $4  }
0xc: {  	s12 =	sadd.s32 s30, s3;
	s6 =	sadd.s32 $0x18800, s9;
	s7 =	sor.u32 $0x1C02, s31  }
0xd: {  	s9 =	sadd.s32 $0xEA00, s10;
	s10 =	sadd.s32 $0x4C00, s10;
	s16 =	sadd.s32 $0x40800, s13  }
0xe: {  	s8 =	smax.u32 s11, $0x1;
	s11 =	sshrl.u32 s12, $0x3;
	s12 =	simm.s32 $0x2  }
0xf: {  	s13 =	simm.s32 $0x100;
	s15 =	sadd.s32 s15, s16;
	s16 =	simm.s32 $0x1  }
.LBB2_7:
0x10: {  	s18 =	sadd.s32 s18, s9;
	[sflag:s12] =	ssyncadd.s32 $0xFFFFC000  }
0x11: {  	[tilespmem:s14], [sflag:$0x2] =	stream.linear.gather [hbm4b:s18+s4], $0x80, $0x38;
	[tilespmem:$0x17D00] =	vst v63  }
0x12: {  	_ =	swait.ge [sflag:s12], $0x80  }
0x13: {  	[sflag:s12] =	ssyncset.done $0x0  }
0x14: {  	[sflag:s12] =	ssyncadd.s32 $0xFFFFFF80  }
0x15: {  	[spmem:s3] =	stream.indirect.scatter.add.f32 [tilespmem:s13], [sflag:$0x2], $0x80, s14, s14, $0xb8;
	[tilespmem:$0x17D00] =	vst v63  }
0x16: {  	_ =	swait.ge [sflag:s12], $0x4000  }
0x17: {  	[sflag:s12] =	ssyncset.done $0x0  }
0x18: {  	[sflag:s12] =	ssyncadd.s32 $0xFFFFC000  }
.LBB2_8:
0x19: {  	s17 =	sadd.s32 $0x1, s17  }
0x1a: {  	p1 =	sne.s32 s17, s8  }
.Ltmp1:
0x1b: {  	[bflag:$0x0] =	sbarrier.arrive $0xFFFF;
	(pc) =	sbr.rel @!p1 .LBB2_9-.Ltmp1, $4  }
0x1c: {  	[hbm:s15], [sflag:s7] =	dma.local [spmem:s11], $0x2780  }
0x1d: {  	_ =	swait.ge [sflag:s12], $0x2780  }
0x1e: {  	[sflag:s12] =	ssyncset.done $0x0  }
0x1f: {  	[sflag:s12] =	ssyncadd.s32 $0xFFFFD880  }
.LBB2_1:
0x20: {  	[spmem:s11], [sflag:s7] =	dma.local [hbm:s6], $0x2780  }
.Ltmp2:
0x21: {  	_ =	swait.ge [sflag:s12], $0x2780;
	(pc) =	sbr.rel @!p0 .LBB2_2-.Ltmp2, $3  }
0x22: {  	[sflag:s12] =	ssyncset.done $0x0  }
0x23: {  	[sflag:s12] =	ssyncadd.s32 $0xFFFFD880  }
0x24: {  	[bflag:$0x0] =	sbarrier.arrive $0xFFFF;
	_ =	sdelay $0x1  }
0x25: {  	s18 =	simm.s32 $0x0  }
0x26: {  	[tilespmem:s13], [sflag:$0x2] =	stream.linear.gather [hbm4b:s5+s18], $0x4000, $0x38;
	[tilespmem:$0x17D00] =	vst v63  }
0x27: {  	_ =	swait.ge [sflag:s12], $0x4000  }
0x28: {  	[sflag:s12] =	ssyncset.done $0x0  }
0x29: {  	s31 =	sadd.s32 $0x0, s9;
	[sflag:s12] =	ssyncadd.s32 $0xFFFFC000  }
0x2a: {  	[tilespmem:s14], [sflag:$0x2] =	stream.linear.gather [hbm4b:s31+s4], $0x80, $0x38;
	[tilespmem:$0x17D00] =	vst v63  }
0x2b: {  	_ =	swait.ge [sflag:s12], $0x80  }
0x2c: {  	[sflag:s12] =	ssyncset.done $0x0  }
0x2d: {  	[sflag:s12] =	ssyncadd.s32 $0xFFFFFF80  }
0x2e: {  	[spmem:s3] =	stream.indirect.scatter.add.f32 [tilespmem:s13], [sflag:$0x2], $0x80, s14, s14, $0xb8;
	[tilespmem:$0x17D00] =	vst v63  }
0x2f: {  	_ =	swait.ge [sflag:s12], $0x4000  }
0x30: {  	s19 =	simm.s32 $0x20;
	s18 =	simm.s32 $0x10;
	[sflag:s12] =	ssyncset.done $0x0  }
.LBB2_6:
0x31: {  	s20 =	sadd.s32 s18, s9  }
0x32: {  	[sflag:s12] =	ssyncadd.s32 $0xFFFFC000;
	s18 =	smov.u32 s19;
	s21 =	sadd.s32 $0x10, s19  }
0x33: {  	[tilespmem:s14], [sflag:$0x2] =	stream.linear.gather [hbm4b:s20+s4], $0x80, $0x38;
	[tilespmem:$0x17D00] =	vst v63  }
0x34: {  	p1 =	sne.s32 s19, $0x9D0;
	_ =	swait.ge [sflag:s12], $0x80  }
.Ltmp3:
0x35: {  	[sflag:s12] =	ssyncset.done $0x0;
	(pc) =	sbr.rel @p1 .LBB2_6-.Ltmp3, $4  }
0x36: {  	[sflag:s12] =	ssyncadd.s32 $0xFFFFFF80  }
0x37: {  	[spmem:s3] =	stream.indirect.scatter.add.f32 [tilespmem:s13], [sflag:$0x2], $0x80, s14, s14, $0xb8;
	[tilespmem:$0x17D00] =	vst v63  }
0x38: {  	_ =	swait.ge [sflag:s12], $0x4000  }
0x39: {  	s19 =	smov.u32 s21;
	[sflag:s12] =	ssyncset.done $0x0  }
.Ltmp4:
0x3a: {  	_ = 	snop;
	(pc) =	sbr.rel .LBB2_7-.Ltmp4, $1  }
0x3b: {  	_ =	sdelay $0x3  }
.LBB2_2:
0x3c: {  	s18 =	sadd.s32 $0x0, s10  }
0x3d: {  	[tilespmem:s4], [sflag:$0x2] =	stream.linear.gather [hbm4b:s18+s4], $0x80, $0x38;
	[tilespmem:$0x17D00] =	vst v63  }
0x3e: {  	_ =	swait.ge [sflag:s12], $0x80  }
0x3f: {  	[sflag:s12] =	ssyncset.done $0x0  }
0x40: {  	s31 =	sadd.s32 $0x0, s9;
	[sflag:s12] =	ssyncadd.s32 $0xFFFFFF80  }
0x41: {  	[tilespmem:s14], [sflag:$0x2] =	stream.linear.gather [hbm4b:s31+s4], $0x80, $0x38;
	[tilespmem:$0x17D00] =	vst v63  }
0x42: {  	_ =	swait.ge [sflag:s12], $0x80  }
0x43: {  	[sflag:s12] =	ssyncset.done $0x0  }
0x44: {  	[sflag:s12] =	ssyncadd.s32 $0xFFFFFF80  }
0x45: {  	[tilespmem:s13], [sflag:$0x1] =	stream.indirect.gather [hbm4b:s2+s14], $0x80, s4, s14, $0xb8;
	[tilespmem:$0x17D00] =	vst v63  }
0x46: {  	_ =	swait.ge [sflag:s16], $0x4000  }
0x47: {  	[sflag:s16] =	ssyncset.done $0x0  }
0x48: {  	[sflag:s16] =	ssyncadd.s32 $0xFFFFC000  }
0x49: {  	[spmem:s3] =	stream.indirect.scatter.add.f32 [tilespmem:s13], [sflag:$0x2], $0x80, s14, s14, $0xb8;
	[tilespmem:$0x17D00] =	vst v63  }
0x4a: {  	_ =	swait.ge [sflag:s12], $0x4000  }
0x4b: {  	s19 =	simm.s32 $0x20;
	s18 =	simm.s32 $0x10;
	[sflag:s12] =	ssyncset.done $0x0  }
.LBB2_3:
0x4c: {  	s20 =	sadd.s32 s18, s10  }
0x4d: {  	[sflag:s12] =	ssyncadd.s32 $0xFFFFC000;
	s21 =	smov.u32 s19;
	s22 =	sadd.s32 $0x10, s19  }
0x4e: {  	[tilespmem:s4], [sflag:$0x2] =	stream.linear.gather [hbm4b:s20+s4], $0x80, $0x38;
	[tilespmem:$0x17D00] =	vst v63  }
0x4f: {  	p1 =	seq.s32 s19, $0x9D0;
	_ =	swait.ge [sflag:s12], $0x80  }
0x50: {  	[sflag:s12] =	ssyncset.done $0x0  }
0x51: {  	s19 =	sadd.s32 s18, s9;
	s18 =	smov.u32 s21;
	[sflag:s12] =	ssyncadd.s32 $0xFFFFFF80  }
0x52: {  	[tilespmem:s14], [sflag:$0x2] =	stream.linear.gather [hbm4b:s19+s4], $0x80, $0x38;
	[tilespmem:$0x17D00] =	vst v63  }
0x53: {  	_ =	swait.ge [sflag:s12], $0x80  }
0x54: {  	[sflag:s12] =	ssyncset.done $0x0  }
0x55: {  	[sflag:s12] =	ssyncadd.s32 $0xFFFFFF80  }
0x56: {  	[tilespmem:s13], [sflag:$0x1] =	stream.indirect.gather [hbm4b:s2+s14], $0x80, s4, s14, $0xb8;
	[tilespmem:$0x17D00] =	vst v63  }
0x57: {  	_ =	swait.ge [sflag:s16], $0x4000  }
.Ltmp5:
0x58: {  	[sflag:s16] =	ssyncset.done $0x0;
	(pc) =	sbr.rel @!p1 .LBB2_3-.Ltmp5, $4  }
0x59: {  	[sflag:s16] =	ssyncadd.s32 $0xFFFFC000  }
0x5a: {  	[spmem:s3] =	stream.indirect.scatter.add.f32 [tilespmem:s13], [sflag:$0x2], $0x80, s14, s14, $0xb8;
	[tilespmem:$0x17D00] =	vst v63  }
0x5b: {  	_ =	swait.ge [sflag:s12], $0x4000  }
0x5c: {  	s19 =	smov.u32 s22;
	[sflag:s12] =	ssyncset.done $0x0  }
0x5d: {  	s19 =	sadd.s32 s18, s10;
	[sflag:s12] =	ssyncadd.s32 $0xFFFFC000  }
0x5e: {  	[tilespmem:s4], [sflag:$0x2] =	stream.linear.gather [hbm4b:s19+s4], $0x80, $0x38;
	[tilespmem:$0x17D00] =	vst v63  }
0x5f: {  	_ =	swait.ge [sflag:s12], $0x80  }
0x60: {  	[sflag:s12] =	ssyncset.done $0x0  }
0x61: {  	s31 =	sadd.s32 s18, s9;
	[sflag:s12] =	ssyncadd.s32 $0xFFFFFF80  }
0x62: {  	[tilespmem:s14], [sflag:$0x2] =	stream.linear.gather [hbm4b:s31+s4], $0x80, $0x38;
	[tilespmem:$0x17D00] =	vst v63  }
0x63: {  	_ =	swait.ge [sflag:s12], $0x80  }
0x64: {  	[sflag:s12] =	ssyncset.done $0x0  }
0x65: {  	[sflag:s12] =	ssyncadd.s32 $0xFFFFFF80  }
0x66: {  	[tilespmem:s13], [sflag:$0x1] =	stream.indirect.gather [hbm4b:s2+s14], $0x80, s4, s14, $0xb8;
	[tilespmem:$0x17D00] =	vst v63  }
0x67: {  	_ =	swait.ge [sflag:s16], $0x4000  }
0x68: {  	[sflag:s16] =	ssyncset.done $0x0  }
.Ltmp6:
0x69: {  	[sflag:s16] =	ssyncadd.s32 $0xFFFFC000;
	(pc) =	sbr.rel .LBB2_8-.Ltmp6, $4  }
0x6a: {  	[spmem:s3] =	stream.indirect.scatter.add.f32 [tilespmem:s13], [sflag:$0x2], $0x80, s14, s14, $0xb8;
	[tilespmem:$0x17D00] =	vst v63  }
0x6b: {  	_ =	swait.ge [sflag:s12], $0x4000  }
0x6c: {  	[sflag:s12] =	ssyncset.done $0x0  }
0x6d: {  	[sflag:s12] =	ssyncadd.s32 $0xFFFFC000  }
.LBB2_9:
0x6e: {  	_ =	sfence.sel $0x180000  }
0x6f: {  	[bflag:$0x0] =	sbarrier.arrive $0xFFFF  }
0x70: {  	p0 =	sne.s32 s1, $0x0;
	_ =	strace $0x90000047  }
0x71: {  	s0 =	sadd.s32 @!p0 $0x100000, s0;
	[bflag:$0x2] =	sbarrier.arrive $0xFFFF  }
0x72: {  	[sflag:s0] =	ssyncadd.tile.s32 @!p0 $0x1;
	_ =	shalt  }
.Lfunc_end2:
_tile_overlayer_lowered:
.L_overlay_start_2:
0x73: {  	(tag) =	ssettag $0x2  }
0x74: {  	s0 =	rddreg [dreg:$0x0];
	s2 =	stileid.u32  }
0x75: {  	s1 =	rddreg [dreg:$0x1];
	p0 =	sne.s32 s2, $0x0  }
0x76: {  	s3 =	rddreg [dreg:$0x2];
	[bflag:$0x3] =	sbarrier.arrive $0xFFFF;
	s2 =	simm.s32 @!p0 $0x1C02  }
0x77: {  	[timem:s3], [sflag:s2] =	dma.local @!p0 [hbm:s0], s1  }
0x78: {  	s0 =	simm.s32 @!p0 $0x2  }
0x79: {  	_ =	swait.ge @!p0 [sflag:s0], s1  }
0x7a: {  	s1 =	ssub.s32 @!p0 $0x0, s1;
	[sflag:s0] =	ssyncset.done @!p0 $0x0  }
0x7b: {  	[sflag:s0] =	ssyncadd.s32 @!p0 s1  }
0x7c: {  	[bflag:$0x3] =	sbarrier.arrive $0xFFFF  }
0x7d: {  	_ =	shalt  }

</sc_bundles>
